<compile_context>
chip_gen: v7x
topology: tpu7x:2x2x1
jax: 0.10.2.dev20260603
libtpu: 0.0.44.dev20260713+nightly
codegen_flags: <defaults>
</compile_context>

<pallas_src>
import functools

import jax
import jax.numpy as jnp
from jax import lax
from jax.experimental import pallas as pl
from jax.experimental.pallas import tpu as pltpu
from jax.experimental.pallas import tpu_sc as plsc

D_MODEL = 64
NUM_CORES = 2
NUM_SUBCORES = 16
NW = NUM_CORES * NUM_SUBCORES
LANES = 16
BBLK = 128
H = 50
NBUF = 4


def _gather_kernel(
    xp_hbm, table_hbm, out_hbm, idx_v, rows_v, tile_v, table_sh, gsem, osem, tsem
):
    wid = lax.axis_index("s") * NUM_CORES + lax.axis_index("c")

    @pl.when(lax.axis_index("s") == 0)
    def _():
        pltpu.async_copy(table_hbm, table_sh, tsem)

    pltpu.sync_copy(xp_hbm.at[wid], idx_v)

    def gather_hbm_desc(h, b):
        return pltpu.make_async_copy(
            table_hbm.at[idx_v.at[h]], rows_v.at[b], gsem.at[b]
        )

    def gather_desc(h, b):
        return pltpu.make_async_copy(
            table_sh.at[idx_v.at[h]], rows_v.at[b], gsem.at[b]
        )

    def store_desc(h, b):
        return pltpu.make_async_copy(
            tile_v.at[b, :, :, pl.ds(0, BBLK)], out_hbm.at[h, :, wid], osem.at[b]
        )

    lanes = lax.iota(jnp.int32, LANES)
    rvecs = [(lanes + 16 * m) // 8 for m in range(4)]
    dvecs = [(lanes + 16 * m) % 8 for m in range(4)]

    gather_hbm_desc(0, 0).start()
    gather_hbm_desc(1, 1).start()

    @pl.when(lax.axis_index("s") == 0)
    def _():
        pltpu.make_async_copy(table_hbm, table_sh, tsem).wait()

    plsc.subcore_barrier()

    def body(h, carry):
        b = h % NBUF
        gather_desc(h, b).wait()

        @pl.when(h + 2 < H)
        def _():
            gather_desc(h + 2, (h + 2) % NBUF).start()

        @pl.when(h >= NBUF)
        def _():
            store_desc(h - NBUF, b).wait()

        @plsc.parallel_loop(0, BBLK, unroll=8)
        def tbody(bp):
            bs = jnp.full((LANES,), bp, jnp.int32)
            for m in range(4):
                vec = rows_v[b, bp, pl.ds(16 * m, LANES)]
                plsc.store_scatter(tile_v.at[b], [rvecs[m], dvecs[m], bs], vec)

        store_desc(h, b).start()
        return carry

    lax.fori_loop(0, H, body, 0)
    for t in range(H - NBUF, H):
        store_desc(t, t % NBUF).wait()


@jax.jit
def _run(xp, table):
    mesh = plsc.VectorSubcoreMesh(core_axis_name="c", subcore_axis_name="s")
    k = functools.partial(
        pl.kernel,
        mesh=mesh,
        compiler_params=pltpu.CompilerParams(
            use_tc_tiling_on_sc=False, needs_layout_passes=False
        ),
        out_type=jax.ShapeDtypeStruct((H, 8, NW, 8, BBLK), jnp.float32),
        scratch_types=[
            pltpu.VMEM((H, BBLK), jnp.int32),
            pltpu.VMEM((NBUF, BBLK, D_MODEL), jnp.float32),
            pltpu.VMEM((NBUF, 8, 8, BBLK + 1), jnp.float32),
            pltpu.VMEM_SHARED((5001, D_MODEL), jnp.float32),
            pltpu.SemaphoreType.DMA((NBUF,)),
            pltpu.SemaphoreType.DMA((NBUF,)),
            pltpu.SemaphoreType.DMA,
        ],
    )(_gather_kernel)
    return k(xp, table)


def kernel(x, se):
    bsz, h = x.shape
    table = se.reshape(se.shape[0], D_MODEL)
    xp = x.reshape(NW, BBLK, h).transpose(0, 2, 1)
    out5 = _run(xp, table)
    out = out5.transpose(2, 4, 0, 1, 3).reshape(bsz, h, D_MODEL)
    return out[:, :, None, :]

# --- scband reference (transcript-rebuilt; emitter-appended) ---
"""Pipeline reference for scband-sinusoidal-encoding-43241730736317 (READ-ONLY COPY).

The authoritative reference and input builder live on the scoring server;
editing this copy changes nothing except your own understanding.
"""

import math
import jax, jax.numpy as jnp
import numpy as np

D_MODEL = 64
MAX_LEN = 5000
BATCH = 4096
HIST = 50


def _make_se(d_model=D_MODEL, max_len=MAX_LEN):
    se = np.zeros((max_len + 1, d_model), dtype=np.float32)
    inp = np.arange(0, max_len + 1, dtype=np.float32)[:, None]
    div_term = np.exp(np.arange(0, d_model, 2).astype(np.float32) * (-math.log(10000.0) / d_model))
    se[:, 0::2] = np.sin(inp * div_term)
    se[:, 1::2] = np.cos(inp * div_term)
    # matches torch buffer: se.unsqueeze(1) -> [max_len+1, 1, d_model]
    return jnp.asarray(se[:, None, :])


def setup_inputs(seed: int = 0) -> dict:
    key = jax.random.key(seed)
    x = jax.random.randint(key, (BATCH, HIST), 0, MAX_LEN + 1, dtype=jnp.int32)
    se = _make_se()
    return {"x": x, "se": se}


def reference(x, se):
    # torch: self.se[x, :] -> gather rows of se by integer index tensor x
    # output shape: [BATCH, HIST, 1, D_MODEL]
    return jnp.take(se, x, axis=0)

if __name__ == "__main__":
    import jax
    _d = setup_inputs()
    print(jax.jit(kernel)(*tuple(_d.values())))

</pallas_src>

<mosaic_0001>
#map = affine_map<(d0, d1) -> (0, 0, 0)>
#map1 = affine_map<(d0, d1) -> (0, 0)>
#map2 = affine_map<(d0, d1) -> (0, 0, 0, 0, 0)>
module attributes {stable_mosaic.version = 14 : i64} {
  func.func @_gather_kernel(%arg0: i32, %arg1: i32, %arg2: memref<32x50x128xi32, #tpu.memory_space<hbm>>, %arg3: memref<5001x64xf32, #tpu.memory_space<hbm>>, %arg4: memref<50x8x32x8x128xf32, #tpu.memory_space<hbm>>, %arg5: memref<50x128xi32, #tpu.memory_space<vmem>>, %arg6: memref<4x128x64xf32, #tpu.memory_space<vmem>>, %arg7: memref<4x8x8x129xf32, #tpu.memory_space<vmem>>, %arg8: memref<5001x64xf32, #tpu.memory_space<vmem_shared>>, %arg9: memref<4x!tpu.dma_semaphore, #tpu.memory_space<semaphore_mem>>, %arg10: memref<4x!tpu.dma_semaphore, #tpu.memory_space<semaphore_mem>>, %arg11: memref<!tpu.dma_semaphore, #tpu.memory_space<semaphore_mem>>) attributes {dimension_semantics = [#tpu.dimension_semantics<core_parallel>, #tpu.dimension_semantics<subcore_parallel>], iteration_bounds = array<i64: 2, 16>, scalar_prefetch = 0 : i64, scratch_operands = 7 : i64, tpu.core_type = #tpu.core_type<sc_vector_subcore>, window_params = [{transform_indices = #map}, {transform_indices = #map1}, {transform_indices = #map2}]} {
    %mul3A = arith.constant 2 : i32
    %mul3A_0 = arith.muli %arg1, %mul3A : i32
    %add3A = arith.addi %mul3A_0, %arg0 : i32
    %eq3A = arith.constant 0 : i32
    %eq3A_1 = arith.cmpi eq, %arg1, %eq3A : i32
    %convert_element_type3A = arith.extui %eq3A_1 : i1 to i32
    %cond3A = arith.constant 0 : i32
    %cond3A_2 = arith.cmpi ne, %convert_element_type3A, %cond3A : i32
    scf.if %cond3A_2 {
      tpu.enqueue_dma source(%arg3 : memref<5001x64xf32, #tpu.memory_space<hbm>>) target(%arg8 : memref<5001x64xf32, #tpu.memory_space<vmem_shared>>) target_semaphore(%arg11 : memref<!tpu.dma_semaphore, #tpu.memory_space<semaphore_mem>>)
    } else {
    }
    "tpu.region"() ({
      %run_scoped3A = tpu.sem_alloc : memref<!tpu.dma_semaphore, #tpu.memory_space<semaphore_mem>>
      %dma_start3A_368 = arith.constant 0 : i32
      %dma_start3A_369 = arith.constant 0 : i32
      %dma_start3A_370 = tpu.memref_slice %arg2[%add3A, %dma_start3A_368, %dma_start3A_369] : memref<32x50x128xi32, #tpu.memory_space<hbm>> -> memref<1x50x128xi32, #tpu.memory_space<hbm>>
      %dma_start3A_371 = tpu.memref_squeeze %dma_start3A_370 : memref<1x50x128xi32, #tpu.memory_space<hbm>> -> memref<50x128xi32, #tpu.memory_space<hbm>>
      %dma_start3A_372 = arith.constant 0 : i32
      %dma_start3A_373 = arith.constant 0 : i32
      %dma_start3A_374 = tpu.memref_slice %arg2[%add3A, %dma_start3A_372, %dma_start3A_373] : memref<32x50x128xi32, #tpu.memory_space<hbm>> -> memref<1x50x128xi32, #tpu.memory_space<hbm>>
      %dma_start3A_375 = tpu.memref_squeeze %dma_start3A_374 : memref<1x50x128xi32, #tpu.memory_space<hbm>> -> memref<50x128xi32, #tpu.memory_space<hbm>>
      tpu.enqueue_dma source(%dma_start3A_375 : memref<50x128xi32, #tpu.memory_space<hbm>>) target(%arg5 : memref<50x128xi32, #tpu.memory_space<vmem>>) target_semaphore(%run_scoped3A : memref<!tpu.dma_semaphore, #tpu.memory_space<semaphore_mem>>)
      %dma_wait3A_376 = arith.constant 0 : i32
      %dma_wait3A_377 = arith.constant 0 : i32
      %dma_wait3A_378 = tpu.memref_slice %arg2[%add3A, %dma_wait3A_376, %dma_wait3A_377] : memref<32x50x128xi32, #tpu.memory_space<hbm>> -> memref<1x50x128xi32, #tpu.memory_space<hbm>>
      %dma_wait3A_379 = tpu.memref_squeeze %dma_wait3A_378 : memref<1x50x128xi32, #tpu.memory_space<hbm>> -> memref<50x128xi32, #tpu.memory_space<hbm>>
      %dma_wait3A_380 = arith.constant 0 : i32
      %dma_wait3A_381 = arith.constant 0 : i32
      %dma_wait3A_382 = tpu.memref_slice %arg2[%add3A, %dma_wait3A_380, %dma_wait3A_381] : memref<32x50x128xi32, #tpu.memory_space<hbm>> -> memref<1x50x128xi32, #tpu.memory_space<hbm>>
      %dma_wait3A_383 = tpu.memref_squeeze %dma_wait3A_382 : memref<1x50x128xi32, #tpu.memory_space<hbm>> -> memref<50x128xi32, #tpu.memory_space<hbm>>
      tpu.wait_dma2 semaphore(%run_scoped3A : memref<!tpu.dma_semaphore, #tpu.memory_space<semaphore_mem>>) src(%dma_wait3A_383 : memref<50x128xi32, #tpu.memory_space<hbm>>) dst(%arg5 : memref<50x128xi32, #tpu.memory_space<vmem>>)
      tpu.yield
    }) : () -> ()
    %iota3A = tpu.iota {dimensions = array<i32: 0>} : vector<16xi32>
    %add3A_3 = arith.constant 0 : i32
    %add3A_4 = vector.broadcast %add3A_3 : i32 to vector<16xi32>
    %add3A_5 = arith.addi %iota3A, %add3A_4 : vector<16xi32>
    %jit3A = arith.constant 8 : i32
    %div3A = vector.broadcast %jit3A : i32 to vector<16xi32>
    %div3A_6 = arith.divsi %add3A_5, %div3A : vector<16xi32>
    %sign3A = arith.constant 0 : i32
    %sign3A_7 = vector.broadcast %sign3A : i32 to vector<16xi32>
    %sign3A_8 = arith.cmpi sgt, %add3A_5, %sign3A_7 : vector<16xi32>
    %sign3A_9 = arith.extui %sign3A_8 : vector<16xi1> to vector<16xi32>
    %sign3A_10 = arith.constant 0 : i32
    %sign3A_11 = vector.broadcast %sign3A_10 : i32 to vector<16xi32>
    %sign3A_12 = arith.cmpi slt, %add3A_5, %sign3A_11 : vector<16xi32>
    %sign3A_13 = arith.extui %sign3A_12 : vector<16xi1> to vector<16xi32>
    %sign3A_14 = arith.subi %sign3A_9, %sign3A_13 : vector<16xi32>
    %sign3A_15 = arith.constant 0 : i32
    %sign3A_16 = arith.cmpi sgt, %jit3A, %sign3A_15 : i32
    %sign3A_17 = arith.extui %sign3A_16 : i1 to i32
    %sign3A_18 = arith.constant 0 : i32
    %sign3A_19 = arith.cmpi slt, %jit3A, %sign3A_18 : i32
    %sign3A_20 = arith.extui %sign3A_19 : i1 to i32
    %sign3A_21 = arith.subi %sign3A_17, %sign3A_20 : i32
    %ne3A = vector.broadcast %sign3A_21 : i32 to vector<16xi32>
    %ne3A_22 = arith.cmpi ne, %sign3A_14, %ne3A : vector<16xi32>
    %rem3A = vector.broadcast %jit3A : i32 to vector<16xi32>
    %rem3A_23 = arith.remsi %add3A_5, %rem3A : vector<16xi32>
    %ne3A_24 = arith.constant 0 : i32
    %ne3A_25 = vector.broadcast %ne3A_24 : i32 to vector<16xi32>
    %ne3A_26 = arith.cmpi ne, %rem3A_23, %ne3A_25 : vector<16xi32>
    %and3A = arith.andi %ne3A_22, %ne3A_26 : vector<16xi1>
    %sub3A = arith.constant 1 : i32
    %sub3A_27 = vector.broadcast %sub3A : i32 to vector<16xi32>
    %sub3A_28 = arith.subi %div3A_6, %sub3A_27 : vector<16xi32>
    %select_n3A = arith.select %and3A, %sub3A_28, %div3A_6 : vector<16xi1>, vector<16xi32>
    %add3A_29 = arith.constant 16 : i32
    %add3A_30 = vector.broadcast %add3A_29 : i32 to vector<16xi32>
    %add3A_31 = arith.addi %iota3A, %add3A_30 : vector<16xi32>
    %jit3A_32 = arith.constant 8 : i32
    %div3A_33 = vector.broadcast %jit3A_32 : i32 to vector<16xi32>
    %div3A_34 = arith.divsi %add3A_31, %div3A_33 : vector<16xi32>
    %sign3A_35 = arith.constant 0 : i32
    %sign3A_36 = vector.broadcast %sign3A_35 : i32 to vector<16xi32>
    %sign3A_37 = arith.cmpi sgt, %add3A_31, %sign3A_36 : vector<16xi32>
    %sign3A_38 = arith.extui %sign3A_37 : vector<16xi1> to vector<16xi32>
    %sign3A_39 = arith.constant 0 : i32
    %sign3A_40 = vector.broadcast %sign3A_39 : i32 to vector<16xi32>
    %sign3A_41 = arith.cmpi slt, %add3A_31, %sign3A_40 : vector<16xi32>
    %sign3A_42 = arith.extui %sign3A_41 : vector<16xi1> to vector<16xi32>
    %sign3A_43 = arith.subi %sign3A_38, %sign3A_42 : vector<16xi32>
    %sign3A_44 = arith.constant 0 : i32
    %sign3A_45 = arith.cmpi sgt, %jit3A_32, %sign3A_44 : i32
    %sign3A_46 = arith.extui %sign3A_45 : i1 to i32
    %sign3A_47 = arith.constant 0 : i32
    %sign3A_48 = arith.cmpi slt, %jit3A_32, %sign3A_47 : i32
    %sign3A_49 = arith.extui %sign3A_48 : i1 to i32
    %sign3A_50 = arith.subi %sign3A_46, %sign3A_49 : i32
    %ne3A_51 = vector.broadcast %sign3A_50 : i32 to vector<16xi32>
    %ne3A_52 = arith.cmpi ne, %sign3A_43, %ne3A_51 : vector<16xi32>
    %rem3A_53 = vector.broadcast %jit3A_32 : i32 to vector<16xi32>
    %rem3A_54 = arith.remsi %add3A_31, %rem3A_53 : vector<16xi32>
    %ne3A_55 = arith.constant 0 : i32
    %ne3A_56 = vector.broadcast %ne3A_55 : i32 to vector<16xi32>
    %ne3A_57 = arith.cmpi ne, %rem3A_54, %ne3A_56 : vector<16xi32>
    %and3A_58 = arith.andi %ne3A_52, %ne3A_57 : vector<16xi1>
    %sub3A_59 = arith.constant 1 : i32
    %sub3A_60 = vector.broadcast %sub3A_59 : i32 to vector<16xi32>
    %sub3A_61 = arith.subi %div3A_34, %sub3A_60 : vector<16xi32>
    %select_n3A_62 = arith.select %and3A_58, %sub3A_61, %div3A_34 : vector<16xi1>, vector<16xi32>
    %add3A_63 = arith.constant 32 : i32
    %add3A_64 = vector.broadcast %add3A_63 : i32 to vector<16xi32>
    %add3A_65 = arith.addi %iota3A, %add3A_64 : vector<16xi32>
    %jit3A_66 = arith.constant 8 : i32
    %div3A_67 = vector.broadcast %jit3A_66 : i32 to vector<16xi32>
    %div3A_68 = arith.divsi %add3A_65, %div3A_67 : vector<16xi32>
    %sign3A_69 = arith.constant 0 : i32
    %sign3A_70 = vector.broadcast %sign3A_69 : i32 to vector<16xi32>
    %sign3A_71 = arith.cmpi sgt, %add3A_65, %sign3A_70 : vector<16xi32>
    %sign3A_72 = arith.extui %sign3A_71 : vector<16xi1> to vector<16xi32>
    %sign3A_73 = arith.constant 0 : i32
    %sign3A_74 = vector.broadcast %sign3A_73 : i32 to vector<16xi32>
    %sign3A_75 = arith.cmpi slt, %add3A_65, %sign3A_74 : vector<16xi32>
    %sign3A_76 = arith.extui %sign3A_75 : vector<16xi1> to vector<16xi32>
    %sign3A_77 = arith.subi %sign3A_72, %sign3A_76 : vector<16xi32>
    %sign3A_78 = arith.constant 0 : i32
    %sign3A_79 = arith.cmpi sgt, %jit3A_66, %sign3A_78 : i32
    %sign3A_80 = arith.extui %sign3A_79 : i1 to i32
    %sign3A_81 = arith.constant 0 : i32
    %sign3A_82 = arith.cmpi slt, %jit3A_66, %sign3A_81 : i32
    %sign3A_83 = arith.extui %sign3A_82 : i1 to i32
    %sign3A_84 = arith.subi %sign3A_80, %sign3A_83 : i32
    %ne3A_85 = vector.broadcast %sign3A_84 : i32 to vector<16xi32>
    %ne3A_86 = arith.cmpi ne, %sign3A_77, %ne3A_85 : vector<16xi32>
    %rem3A_87 = vector.broadcast %jit3A_66 : i32 to vector<16xi32>
    %rem3A_88 = arith.remsi %add3A_65, %rem3A_87 : vector<16xi32>
    %ne3A_89 = arith.constant 0 : i32
    %ne3A_90 = vector.broadcast %ne3A_89 : i32 to vector<16xi32>
    %ne3A_91 = arith.cmpi ne, %rem3A_88, %ne3A_90 : vector<16xi32>
    %and3A_92 = arith.andi %ne3A_86, %ne3A_91 : vector<16xi1>
    %sub3A_93 = arith.constant 1 : i32
    %sub3A_94 = vector.broadcast %sub3A_93 : i32 to vector<16xi32>
    %sub3A_95 = arith.subi %div3A_68, %sub3A_94 : vector<16xi32>
    %select_n3A_96 = arith.select %and3A_92, %sub3A_95, %div3A_68 : vector<16xi1>, vector<16xi32>
    %add3A_97 = arith.constant 48 : i32
    %add3A_98 = vector.broadcast %add3A_97 : i32 to vector<16xi32>
    %add3A_99 = arith.addi %iota3A, %add3A_98 : vector<16xi32>
    %jit3A_100 = arith.constant 8 : i32
    %div3A_101 = vector.broadcast %jit3A_100 : i32 to vector<16xi32>
    %div3A_102 = arith.divsi %add3A_99, %div3A_101 : vector<16xi32>
    %sign3A_103 = arith.constant 0 : i32
    %sign3A_104 = vector.broadcast %sign3A_103 : i32 to vector<16xi32>
    %sign3A_105 = arith.cmpi sgt, %add3A_99, %sign3A_104 : vector<16xi32>
    %sign3A_106 = arith.extui %sign3A_105 : vector<16xi1> to vector<16xi32>
    %sign3A_107 = arith.constant 0 : i32
    %sign3A_108 = vector.broadcast %sign3A_107 : i32 to vector<16xi32>
    %sign3A_109 = arith.cmpi slt, %add3A_99, %sign3A_108 : vector<16xi32>
    %sign3A_110 = arith.extui %sign3A_109 : vector<16xi1> to vector<16xi32>
    %sign3A_111 = arith.subi %sign3A_106, %sign3A_110 : vector<16xi32>
    %sign3A_112 = arith.constant 0 : i32
    %sign3A_113 = arith.cmpi sgt, %jit3A_100, %sign3A_112 : i32
    %sign3A_114 = arith.extui %sign3A_113 : i1 to i32
    %sign3A_115 = arith.constant 0 : i32
    %sign3A_116 = arith.cmpi slt, %jit3A_100, %sign3A_115 : i32
    %sign3A_117 = arith.extui %sign3A_116 : i1 to i32
    %sign3A_118 = arith.subi %sign3A_114, %sign3A_117 : i32
    %ne3A_119 = vector.broadcast %sign3A_118 : i32 to vector<16xi32>
    %ne3A_120 = arith.cmpi ne, %sign3A_111, %ne3A_119 : vector<16xi32>
    %rem3A_121 = vector.broadcast %jit3A_100 : i32 to vector<16xi32>
    %rem3A_122 = arith.remsi %add3A_99, %rem3A_121 : vector<16xi32>
    %ne3A_123 = arith.constant 0 : i32
    %ne3A_124 = vector.broadcast %ne3A_123 : i32 to vector<16xi32>
    %ne3A_125 = arith.cmpi ne, %rem3A_122, %ne3A_124 : vector<16xi32>
    %and3A_126 = arith.andi %ne3A_120, %ne3A_125 : vector<16xi1>
    %sub3A_127 = arith.constant 1 : i32
    %sub3A_128 = vector.broadcast %sub3A_127 : i32 to vector<16xi32>
    %sub3A_129 = arith.subi %div3A_102, %sub3A_128 : vector<16xi32>
    %select_n3A_130 = arith.select %and3A_126, %sub3A_129, %div3A_102 : vector<16xi1>, vector<16xi32>
    %add3A_131 = arith.constant 0 : i32
    %add3A_132 = vector.broadcast %add3A_131 : i32 to vector<16xi32>
    %add3A_133 = arith.addi %iota3A, %add3A_132 : vector<16xi32>
    %jit3A_134 = arith.constant 8 : i32
    %eq3A_135 = arith.constant 0 : i32
    %eq3A_136 = arith.cmpi eq, %jit3A_134, %eq3A_135 : i32
    %jit3A_137 = arith.constant 1 : i32
    %select_n3A_138 = arith.select %eq3A_136, %jit3A_137, %jit3A_134 : i32
    %rem3A_139 = vector.broadcast %select_n3A_138 : i32 to vector<16xi32>
    %rem3A_140 = arith.remsi %add3A_133, %rem3A_139 : vector<16xi32>
    %ne3A_141 = arith.constant 0 : i32
    %ne3A_142 = vector.broadcast %ne3A_141 : i32 to vector<16xi32>
    %ne3A_143 = arith.cmpi ne, %rem3A_140, %ne3A_142 : vector<16xi32>
    %lt3A = arith.constant 0 : i32
    %lt3A_144 = vector.broadcast %lt3A : i32 to vector<16xi32>
    %lt3A_145 = arith.cmpi slt, %rem3A_140, %lt3A_144 : vector<16xi32>
    %lt3A_146 = arith.constant 0 : i32
    %lt3A_147 = arith.cmpi slt, %select_n3A_138, %lt3A_146 : i32
    %ne3A_148 = vector.broadcast %lt3A_147 : i1 to vector<16xi1>
    %ne3A_149 = vector.broadcast %ne3A_148 : vector<16xi1> to vector<16xi1>
    %ne3A_150 = arith.xori %lt3A_145, %ne3A_149 : vector<16xi1>
    %and3A_151 = arith.andi %ne3A_150, %ne3A_143 : vector<16xi1>
    %add3A_152 = vector.broadcast %select_n3A_138 : i32 to vector<16xi32>
    %add3A_153 = arith.addi %rem3A_140, %add3A_152 : vector<16xi32>
    %select_n3A_154 = arith.select %and3A_151, %add3A_153, %rem3A_140 : vector<16xi1>, vector<16xi32>
    %add3A_155 = arith.constant 16 : i32
    %add3A_156 = vector.broadcast %add3A_155 : i32 to vector<16xi32>
    %add3A_157 = arith.addi %iota3A, %add3A_156 : vector<16xi32>
    %jit3A_158 = arith.constant 8 : i32
    %eq3A_159 = arith.constant 0 : i32
    %eq3A_160 = arith.cmpi eq, %jit3A_158, %eq3A_159 : i32
    %jit3A_161 = arith.constant 1 : i32
    %select_n3A_162 = arith.select %eq3A_160, %jit3A_161, %jit3A_158 : i32
    %rem3A_163 = vector.broadcast %select_n3A_162 : i32 to vector<16xi32>
    %rem3A_164 = arith.remsi %add3A_157, %rem3A_163 : vector<16xi32>
    %ne3A_165 = arith.constant 0 : i32
    %ne3A_166 = vector.broadcast %ne3A_165 : i32 to vector<16xi32>
    %ne3A_167 = arith.cmpi ne, %rem3A_164, %ne3A_166 : vector<16xi32>
    %lt3A_168 = arith.constant 0 : i32
    %lt3A_169 = vector.broadcast %lt3A_168 : i32 to vector<16xi32>
    %lt3A_170 = arith.cmpi slt, %rem3A_164, %lt3A_169 : vector<16xi32>
    %lt3A_171 = arith.constant 0 : i32
    %lt3A_172 = arith.cmpi slt, %select_n3A_162, %lt3A_171 : i32
    %ne3A_173 = vector.broadcast %lt3A_172 : i1 to vector<16xi1>
    %ne3A_174 = vector.broadcast %ne3A_173 : vector<16xi1> to vector<16xi1>
    %ne3A_175 = arith.xori %lt3A_170, %ne3A_174 : vector<16xi1>
    %and3A_176 = arith.andi %ne3A_175, %ne3A_167 : vector<16xi1>
    %add3A_177 = vector.broadcast %select_n3A_162 : i32 to vector<16xi32>
    %add3A_178 = arith.addi %rem3A_164, %add3A_177 : vector<16xi32>
    %select_n3A_179 = arith.select %and3A_176, %add3A_178, %rem3A_164 : vector<16xi1>, vector<16xi32>
    %add3A_180 = arith.constant 32 : i32
    %add3A_181 = vector.broadcast %add3A_180 : i32 to vector<16xi32>
    %add3A_182 = arith.addi %iota3A, %add3A_181 : vector<16xi32>
    %jit3A_183 = arith.constant 8 : i32
    %eq3A_184 = arith.constant 0 : i32
    %eq3A_185 = arith.cmpi eq, %jit3A_183, %eq3A_184 : i32
    %jit3A_186 = arith.constant 1 : i32
    %select_n3A_187 = arith.select %eq3A_185, %jit3A_186, %jit3A_183 : i32
    %rem3A_188 = vector.broadcast %select_n3A_187 : i32 to vector<16xi32>
    %rem3A_189 = arith.remsi %add3A_182, %rem3A_188 : vector<16xi32>
    %ne3A_190 = arith.constant 0 : i32
    %ne3A_191 = vector.broadcast %ne3A_190 : i32 to vector<16xi32>
    %ne3A_192 = arith.cmpi ne, %rem3A_189, %ne3A_191 : vector<16xi32>
    %lt3A_193 = arith.constant 0 : i32
    %lt3A_194 = vector.broadcast %lt3A_193 : i32 to vector<16xi32>
    %lt3A_195 = arith.cmpi slt, %rem3A_189, %lt3A_194 : vector<16xi32>
    %lt3A_196 = arith.constant 0 : i32
    %lt3A_197 = arith.cmpi slt, %select_n3A_187, %lt3A_196 : i32
    %ne3A_198 = vector.broadcast %lt3A_197 : i1 to vector<16xi1>
    %ne3A_199 = vector.broadcast %ne3A_198 : vector<16xi1> to vector<16xi1>
    %ne3A_200 = arith.xori %lt3A_195, %ne3A_199 : vector<16xi1>
    %and3A_201 = arith.andi %ne3A_200, %ne3A_192 : vector<16xi1>
    %add3A_202 = vector.broadcast %select_n3A_187 : i32 to vector<16xi32>
    %add3A_203 = arith.addi %rem3A_189, %add3A_202 : vector<16xi32>
    %select_n3A_204 = arith.select %and3A_201, %add3A_203, %rem3A_189 : vector<16xi1>, vector<16xi32>
    %add3A_205 = arith.constant 48 : i32
    %add3A_206 = vector.broadcast %add3A_205 : i32 to vector<16xi32>
    %add3A_207 = arith.addi %iota3A, %add3A_206 : vector<16xi32>
    %jit3A_208 = arith.constant 8 : i32
    %eq3A_209 = arith.constant 0 : i32
    %eq3A_210 = arith.cmpi eq, %jit3A_208, %eq3A_209 : i32
    %jit3A_211 = arith.constant 1 : i32
    %select_n3A_212 = arith.select %eq3A_210, %jit3A_211, %jit3A_208 : i32
    %rem3A_213 = vector.broadcast %select_n3A_212 : i32 to vector<16xi32>
    %rem3A_214 = arith.remsi %add3A_207, %rem3A_213 : vector<16xi32>
    %ne3A_215 = arith.constant 0 : i32
    %ne3A_216 = vector.broadcast %ne3A_215 : i32 to vector<16xi32>
    %ne3A_217 = arith.cmpi ne, %rem3A_214, %ne3A_216 : vector<16xi32>
    %lt3A_218 = arith.constant 0 : i32
    %lt3A_219 = vector.broadcast %lt3A_218 : i32 to vector<16xi32>
    %lt3A_220 = arith.cmpi slt, %rem3A_214, %lt3A_219 : vector<16xi32>
    %lt3A_221 = arith.constant 0 : i32
    %lt3A_222 = arith.cmpi slt, %select_n3A_212, %lt3A_221 : i32
    %ne3A_223 = vector.broadcast %lt3A_222 : i1 to vector<16xi1>
    %ne3A_224 = vector.broadcast %ne3A_223 : vector<16xi1> to vector<16xi1>
    %ne3A_225 = arith.xori %lt3A_220, %ne3A_224 : vector<16xi1>
    %and3A_226 = arith.andi %ne3A_225, %ne3A_217 : vector<16xi1>
    %add3A_227 = vector.broadcast %select_n3A_212 : i32 to vector<16xi32>
    %add3A_228 = arith.addi %rem3A_214, %add3A_227 : vector<16xi32>
    %select_n3A_229 = arith.select %and3A_226, %add3A_228, %rem3A_214 : vector<16xi1>, vector<16xi32>
    %dma_start3A = arith.constant 0 : i32
    %dma_start3A_230 = arith.constant 0 : i32
    %dma_start3A_231 = arith.constant 0 : i32
    %dma_start3A_232 = arith.constant 0 : i32
    %dma_start3A_233 = arith.constant 0 : i32
    %dma_start3A_234 = tpu.memref_slice %arg6[%dma_start3A_230, %dma_start3A_232, %dma_start3A_233] : memref<4x128x64xf32, #tpu.memory_space<vmem>> -> memref<1x128x64xf32, #tpu.memory_space<vmem>>
    %dma_start3A_235 = tpu.memref_squeeze %dma_start3A_234 : memref<1x128x64xf32, #tpu.memory_space<vmem>> -> memref<128x64xf32, #tpu.memory_space<vmem>>
    %dma_start3A_236 = arith.constant 0 : i32
    %dma_start3A_237 = tpu.memref_slice %arg5[%dma_start3A, %dma_start3A_236] : memref<50x128xi32, #tpu.memory_space<vmem>> -> memref<1x128xi32, #tpu.memory_space<vmem>>
    %dma_start3A_238 = tpu.memref_squeeze %dma_start3A_237 : memref<1x128xi32, #tpu.memory_space<vmem>> -> memref<128xi32, #tpu.memory_space<vmem>>
    %dma_start3A_239 = arith.constant 0 : i32
    %dma_start3A_240 = arith.constant 0 : i32
    %dma_start3A_241 = tpu.memref_slice %arg3[%dma_start3A_239, %dma_start3A_240] : memref<5001x64xf32, #tpu.memory_space<hbm>> -> memref<5001x64xf32, #tpu.memory_space<hbm>>
    %dma_start3A_242 = tpu.memref_slice %arg9[%dma_start3A_231] : memref<4x!tpu.dma_semaphore, #tpu.memory_space<semaphore_mem>> -> memref<1x!tpu.dma_semaphore, #tpu.memory_space<semaphore_mem>>
    %dma_start3A_243 = tpu.memref_squeeze %dma_start3A_242 : memref<1x!tpu.dma_semaphore, #tpu.memory_space<semaphore_mem>> -> memref<!tpu.dma_semaphore, #tpu.memory_space<semaphore_mem>>
    tpu.enqueue_indirect_dma source(%dma_start3A_241 : memref<5001x64xf32, #tpu.memory_space<hbm>>) target(%dma_start3A_235 : memref<128x64xf32, #tpu.memory_space<vmem>>) offsets(%dma_start3A_238 : memref<128xi32, #tpu.memory_space<vmem>>) semaphore(%dma_start3A_243 : memref<!tpu.dma_semaphore, #tpu.memory_space<semaphore_mem>>)
    %dma_start3A_244 = arith.constant 1 : i32
    %dma_start3A_245 = arith.constant 1 : i32
    %dma_start3A_246 = arith.constant 1 : i32
    %dma_start3A_247 = arith.constant 0 : i32
    %dma_start3A_248 = arith.constant 0 : i32
    %dma_start3A_249 = tpu.memref_slice %arg6[%dma_start3A_245, %dma_start3A_247, %dma_start3A_248] : memref<4x128x64xf32, #tpu.memory_space<vmem>> -> memref<1x128x64xf32, #tpu.memory_space<vmem>>
    %dma_start3A_250 = tpu.memref_squeeze %dma_start3A_249 : memref<1x128x64xf32, #tpu.memory_space<vmem>> -> memref<128x64xf32, #tpu.memory_space<vmem>>
    %dma_start3A_251 = arith.constant 0 : i32
    %dma_start3A_252 = tpu.memref_slice %arg5[%dma_start3A_244, %dma_start3A_251] : memref<50x128xi32, #tpu.memory_space<vmem>> -> memref<1x128xi32, #tpu.memory_space<vmem>>
    %dma_start3A_253 = tpu.memref_squeeze %dma_start3A_252 : memref<1x128xi32, #tpu.memory_space<vmem>> -> memref<128xi32, #tpu.memory_space<vmem>>
    %dma_start3A_254 = arith.constant 0 : i32
    %dma_start3A_255 = arith.constant 0 : i32
    %dma_start3A_256 = tpu.memref_slice %arg3[%dma_start3A_254, %dma_start3A_255] : memref<5001x64xf32, #tpu.memory_space<hbm>> -> memref<5001x64xf32, #tpu.memory_space<hbm>>
    %dma_start3A_257 = tpu.memref_slice %arg9[%dma_start3A_246] : memref<4x!tpu.dma_semaphore, #tpu.memory_space<semaphore_mem>> -> memref<1x!tpu.dma_semaphore, #tpu.memory_space<semaphore_mem>>
    %dma_start3A_258 = tpu.memref_squeeze %dma_start3A_257 : memref<1x!tpu.dma_semaphore, #tpu.memory_space<semaphore_mem>> -> memref<!tpu.dma_semaphore, #tpu.memory_space<semaphore_mem>>
    tpu.enqueue_indirect_dma source(%dma_start3A_256 : memref<5001x64xf32, #tpu.memory_space<hbm>>) target(%dma_start3A_250 : memref<128x64xf32, #tpu.memory_space<vmem>>) offsets(%dma_start3A_253 : memref<128xi32, #tpu.memory_space<vmem>>) semaphore(%dma_start3A_258 : memref<!tpu.dma_semaphore, #tpu.memory_space<semaphore_mem>>)
    %eq3A_259 = arith.constant 0 : i32
    %eq3A_260 = arith.cmpi eq, %arg1, %eq3A_259 : i32
    %convert_element_type3A_261 = arith.extui %eq3A_260 : i1 to i32
    %cond3A_262 = arith.constant 0 : i32
    %cond3A_263 = arith.cmpi ne, %convert_element_type3A_261, %cond3A_262 : i32
    scf.if %cond3A_263 {
      tpu.wait_dma2 semaphore(%arg11 : memref<!tpu.dma_semaphore, #tpu.memory_space<semaphore_mem>>) src(%arg3 : memref<5001x64xf32, #tpu.memory_space<hbm>>) dst(%arg8 : memref<5001x64xf32, #tpu.memory_space<vmem_shared>>)
    } else {
    }
    %barrier3A = arith.constant 0 : index
    tpu.barrier barrier_id(%barrier3A)
    %scan3A = arith.constant 0 : i32
    %scan3A_264 = arith.constant 0 : i32
    %scan3A_265 = arith.constant 50 : i32
    %scan3A_266 = arith.addi %scan3A_264, %scan3A_265 : i32
    %scan3A_267 = arith.constant 1 : i32
    scf.for %scan3A_368 = %scan3A_264 to %scan3A_266 step %scan3A_267  : i32 {
      %jit3A_369 = arith.constant 4 : i32
      %eq3A_370 = arith.constant 0 : i32
      %eq3A_371 = arith.cmpi eq, %jit3A_369, %eq3A_370 : i32
      %jit3A_372 = arith.constant 1 : i32
      %select_n3A_373 = arith.select %eq3A_371, %jit3A_372, %jit3A_369 : i32
      %rem3A_374 = arith.remsi %scan3A_368, %select_n3A_373 : i32
      %ne3A_375 = arith.constant 0 : i32
      %ne3A_376 = arith.cmpi ne, %rem3A_374, %ne3A_375 : i32
      %lt3A_377 = arith.constant 0 : i32
      %lt3A_378 = arith.cmpi slt, %rem3A_374, %lt3A_377 : i32
      %lt3A_379 = arith.constant 0 : i32
      %lt3A_380 = arith.cmpi slt, %select_n3A_373, %lt3A_379 : i32
      %ne3A_381 = arith.xori %lt3A_378, %lt3A_380 : i1
      %and3A_382 = arith.andi %ne3A_381, %ne3A_376 : i1
      %add3A_383 = arith.addi %rem3A_374, %select_n3A_373 : i32
      %select_n3A_384 = arith.select %and3A_382, %add3A_383, %rem3A_374 : i32
      %dma_wait3A_385 = arith.constant 0 : i32
      %dma_wait3A_386 = arith.constant 0 : i32
      %dma_wait3A_387 = tpu.memref_slice %arg6[%select_n3A_384, %dma_wait3A_385, %dma_wait3A_386] : memref<4x128x64xf32, #tpu.memory_space<vmem>> -> memref<1x128x64xf32, #tpu.memory_space<vmem>>
      %dma_wait3A_388 = tpu.memref_squeeze %dma_wait3A_387 : memref<1x128x64xf32, #tpu.memory_space<vmem>> -> memref<128x64xf32, #tpu.memory_space<vmem>>
      %dma_wait3A_389 = arith.constant 0 : i32
      %dma_wait3A_390 = tpu.memref_slice %arg5[%scan3A_368, %dma_wait3A_389] : memref<50x128xi32, #tpu.memory_space<vmem>> -> memref<1x128xi32, #tpu.memory_space<vmem>>
      %dma_wait3A_391 = tpu.memref_squeeze %dma_wait3A_390 : memref<1x128xi32, #tpu.memory_space<vmem>> -> memref<128xi32, #tpu.memory_space<vmem>>
      %dma_wait3A_392 = arith.constant 0 : i32
      %dma_wait3A_393 = arith.constant 0 : i32
      %dma_wait3A_394 = tpu.memref_slice %arg8[%dma_wait3A_392, %dma_wait3A_393] : memref<5001x64xf32, #tpu.memory_space<vmem_shared>> -> memref<5001x64xf32, #tpu.memory_space<vmem_shared>>
      %dma_wait3A_395 = tpu.memref_slice %arg9[%select_n3A_384] : memref<4x!tpu.dma_semaphore, #tpu.memory_space<semaphore_mem>> -> memref<1x!tpu.dma_semaphore, #tpu.memory_space<semaphore_mem>>
      %dma_wait3A_396 = tpu.memref_squeeze %dma_wait3A_395 : memref<1x!tpu.dma_semaphore, #tpu.memory_space<semaphore_mem>> -> memref<!tpu.dma_semaphore, #tpu.memory_space<semaphore_mem>>
      tpu.wait_indirect_dma semaphore(%dma_wait3A_396 : memref<!tpu.dma_semaphore, #tpu.memory_space<semaphore_mem>>) src(%dma_wait3A_394 : memref<5001x64xf32, #tpu.memory_space<vmem_shared>>) dst(%dma_wait3A_388 : memref<128x64xf32, #tpu.memory_space<vmem>>)
      %add3A_397 = arith.constant 2 : i32
      %add3A_398 = arith.addi %scan3A_368, %add3A_397 : i32
      %lt3A_399 = arith.constant 50 : i32
      %lt3A_400 = arith.cmpi slt, %add3A_398, %lt3A_399 : i32
      %convert_element_type3A_401 = arith.extui %lt3A_400 : i1 to i32
      %cond3A_402 = arith.constant 0 : i32
      %cond3A_403 = arith.cmpi ne, %convert_element_type3A_401, %cond3A_402 : i32
      scf.if %cond3A_403 {
        %add3A_432 = arith.constant 2 : i32
        %add3A_433 = arith.addi %scan3A_368, %add3A_432 : i32
        %add3A_434 = arith.constant 2 : i32
        %add3A_435 = arith.addi %scan3A_368, %add3A_434 : i32
        %jit3A_436 = arith.constant 4 : i32
        %eq3A_437 = arith.constant 0 : i32
        %eq3A_438 = arith.cmpi eq, %jit3A_436, %eq3A_437 : i32
        %jit3A_439 = arith.constant 1 : i32
        %select_n3A_440 = arith.select %eq3A_438, %jit3A_439, %jit3A_436 : i32
        %rem3A_441 = arith.remsi %add3A_435, %select_n3A_440 : i32
        %ne3A_442 = arith.constant 0 : i32
        %ne3A_443 = arith.cmpi ne, %rem3A_441, %ne3A_442 : i32
        %lt3A_444 = arith.constant 0 : i32
        %lt3A_445 = arith.cmpi slt, %rem3A_441, %lt3A_444 : i32
        %lt3A_446 = arith.constant 0 : i32
        %lt3A_447 = arith.cmpi slt, %select_n3A_440, %lt3A_446 : i32
        %ne3A_448 = arith.xori %lt3A_445, %lt3A_447 : i1
        %and3A_449 = arith.andi %ne3A_448, %ne3A_443 : i1
        %add3A_450 = arith.addi %rem3A_441, %select_n3A_440 : i32
        %select_n3A_451 = arith.select %and3A_449, %add3A_450, %rem3A_441 : i32
        %dma_start3A_452 = arith.constant 0 : i32
        %dma_start3A_453 = arith.constant 0 : i32
        %dma_start3A_454 = tpu.memref_slice %arg6[%select_n3A_451, %dma_start3A_452, %dma_start3A_453] : memref<4x128x64xf32, #tpu.memory_space<vmem>> -> memref<1x128x64xf32, #tpu.memory_space<vmem>>
        %dma_start3A_455 = tpu.memref_squeeze %dma_start3A_454 : memref<1x128x64xf32, #tpu.memory_space<vmem>> -> memref<128x64xf32, #tpu.memory_space<vmem>>
        %dma_start3A_456 = arith.constant 0 : i32
        %dma_start3A_457 = tpu.memref_slice %arg5[%add3A_433, %dma_start3A_456] : memref<50x128xi32, #tpu.memory_space<vmem>> -> memref<1x128xi32, #tpu.memory_space<vmem>>
        %dma_start3A_458 = tpu.memref_squeeze %dma_start3A_457 : memref<1x128xi32, #tpu.memory_space<vmem>> -> memref<128xi32, #tpu.memory_space<vmem>>
        %dma_start3A_459 = arith.constant 0 : i32
        %dma_start3A_460 = arith.constant 0 : i32
        %dma_start3A_461 = tpu.memref_slice %arg8[%dma_start3A_459, %dma_start3A_460] : memref<5001x64xf32, #tpu.memory_space<vmem_shared>> -> memref<5001x64xf32, #tpu.memory_space<vmem_shared>>
        %dma_start3A_462 = tpu.memref_slice %arg9[%select_n3A_451] : memref<4x!tpu.dma_semaphore, #tpu.memory_space<semaphore_mem>> -> memref<1x!tpu.dma_semaphore, #tpu.memory_space<semaphore_mem>>
        %dma_start3A_463 = tpu.memref_squeeze %dma_start3A_462 : memref<1x!tpu.dma_semaphore, #tpu.memory_space<semaphore_mem>> -> memref<!tpu.dma_semaphore, #tpu.memory_space<semaphore_mem>>
        tpu.enqueue_indirect_dma source(%dma_start3A_461 : memref<5001x64xf32, #tpu.memory_space<vmem_shared>>) target(%dma_start3A_455 : memref<128x64xf32, #tpu.memory_space<vmem>>) offsets(%dma_start3A_458 : memref<128xi32, #tpu.memory_space<vmem>>) semaphore(%dma_start3A_463 : memref<!tpu.dma_semaphore, #tpu.memory_space<semaphore_mem>>)
      } else {
      }
      %ge3A = arith.constant 4 : i32
      %ge3A_404 = arith.cmpi sge, %scan3A_368, %ge3A : i32
      %convert_element_type3A_405 = arith.extui %ge3A_404 : i1 to i32
      %cond3A_406 = arith.constant 0 : i32
      %cond3A_407 = arith.cmpi ne, %convert_element_type3A_405, %cond3A_406 : i32
      scf.if %cond3A_407 {
        %sub3A_432 = arith.constant 4 : i32
        %sub3A_433 = arith.subi %scan3A_368, %sub3A_432 : i32
        %dma_wait3A_434 = arith.constant 0 : i32
        %dma_wait3A_435 = arith.constant 0 : i32
        %dma_wait3A_436 = arith.constant 0 : i32
        %dma_wait3A_437 = tpu.memref_slice %arg7[%select_n3A_384, %dma_wait3A_434, %dma_wait3A_435, %dma_wait3A_436] : memref<4x8x8x129xf32, #tpu.memory_space<vmem>> -> memref<1x8x8x128xf32, #tpu.memory_space<vmem>>
        %dma_wait3A_438 = tpu.memref_squeeze %dma_wait3A_437 : memref<1x8x8x128xf32, #tpu.memory_space<vmem>> -> memref<8x8x128xf32, #tpu.memory_space<vmem>>
        %dma_wait3A_439 = arith.constant 0 : i32
        %dma_wait3A_440 = arith.constant 0 : i32
        %dma_wait3A_441 = arith.constant 0 : i32
        %dma_wait3A_442 = tpu.memref_slice %arg4[%sub3A_433, %dma_wait3A_439, %add3A, %dma_wait3A_440, %dma_wait3A_441] : memref<50x8x32x8x128xf32, #tpu.memory_space<hbm>> -> memref<1x8x1x8x128xf32, #tpu.memory_space<hbm>>
        %dma_wait3A_443 = tpu.memref_squeeze %dma_wait3A_442 : memref<1x8x1x8x128xf32, #tpu.memory_space<hbm>> -> memref<8x8x128xf32, #tpu.memory_space<hbm>>
        %dma_wait3A_444 = tpu.memref_slice %arg10[%select_n3A_384] : memref<4x!tpu.dma_semaphore, #tpu.memory_space<semaphore_mem>> -> memref<1x!tpu.dma_semaphore, #tpu.memory_space<semaphore_mem>>
        %dma_wait3A_445 = tpu.memref_squeeze %dma_wait3A_444 : memref<1x!tpu.dma_semaphore, #tpu.memory_space<semaphore_mem>> -> memref<!tpu.dma_semaphore, #tpu.memory_space<semaphore_mem>>
        %dma_wait3A_446 = arith.constant 0 : i32
        %dma_wait3A_447 = arith.constant 0 : i32
        %dma_wait3A_448 = arith.constant 0 : i32
        %dma_wait3A_449 = tpu.memref_slice %arg4[%sub3A_433, %dma_wait3A_446, %add3A, %dma_wait3A_447, %dma_wait3A_448] : memref<50x8x32x8x128xf32, #tpu.memory_space<hbm>> -> memref<1x8x1x8x128xf32, #tpu.memory_space<hbm>>
        %dma_wait3A_450 = tpu.memref_squeeze %dma_wait3A_449 : memref<1x8x1x8x128xf32, #tpu.memory_space<hbm>> -> memref<8x8x128xf32, #tpu.memory_space<hbm>>
        %dma_wait3A_451 = arith.constant 0 : i32
        %dma_wait3A_452 = arith.constant 0 : i32
        %dma_wait3A_453 = arith.constant 0 : i32
        %dma_wait3A_454 = tpu.memref_slice %arg7[%select_n3A_384, %dma_wait3A_451, %dma_wait3A_452, %dma_wait3A_453] : memref<4x8x8x129xf32, #tpu.memory_space<vmem>> -> memref<1x8x8x128xf32, #tpu.memory_space<vmem>>
        %dma_wait3A_455 = tpu.memref_squeeze %dma_wait3A_454 : memref<1x8x8x128xf32, #tpu.memory_space<vmem>> -> memref<8x8x128xf32, #tpu.memory_space<vmem>>
        tpu.wait_dma2 semaphore(%dma_wait3A_445 : memref<!tpu.dma_semaphore, #tpu.memory_space<semaphore_mem>>) src(%dma_wait3A_455 : memref<8x8x128xf32, #tpu.memory_space<vmem>>) dst(%dma_wait3A_450 : memref<8x8x128xf32, #tpu.memory_space<hbm>>)
      } else {
      }
      %parallel_loop3A = arith.constant 0 : i32
      %parallel_loop3A_408 = arith.constant 128 : i32
      %parallel_loop3A_409 = arith.constant 1 : i32
      scf.for %parallel_loop3A_432 = %parallel_loop3A to %parallel_loop3A_408 step %parallel_loop3A_409  : i32 {
        %parallel_loop3A_433 = vector.broadcast %parallel_loop3A_432 : i32 to vector<16xi32>
        %parallel_loop3A_434 = arith.index_cast %select_n3A_384 : i32 to index
        %parallel_loop3A_435 = arith.index_cast %parallel_loop3A_432 : i32 to index
        %parallel_loop3A_436 = arith.constant 0 : index
        %parallel_loop3A_437 = tpu.vector_load %arg6[%parallel_loop3A_434, %parallel_loop3A_435, %parallel_loop3A_436] {strides = array<i32>} : memref<4x128x64xf32, #tpu.memory_space<vmem>>, vector<16xf32>,
        %parallel_loop3A_438 = arith.constant 0 : i32
        %parallel_loop3A_439 = arith.constant 0 : i32
        %parallel_loop3A_440 = arith.constant 0 : i32
        %parallel_loop3A_441 = tpu.memref_slice %arg7[%select_n3A_384, %parallel_loop3A_438, %parallel_loop3A_439, %parallel_loop3A_440] : memref<4x8x8x129xf32, #tpu.memory_space<vmem>> -> memref<1x8x8x129xf32, #tpu.memory_space<vmem>>
        %parallel_loop3A_442 = tpu.memref_squeeze %parallel_loop3A_441 : memref<1x8x8x129xf32, #tpu.memory_space<vmem>> -> memref<8x8x129xf32, #tpu.memory_space<vmem>>
        tpu.vector_store_idx %parallel_loop3A_442[%select_n3A, %select_n3A_154, %parallel_loop3A_433], %parallel_loop3A_437 : memref<8x8x129xf32, #tpu.memory_space<vmem>>[vector<16xi32>, vector<16xi32>, vector<16xi32>], vector<16xf32>,
        %parallel_loop3A_443 = arith.index_cast %select_n3A_384 : i32 to index
        %parallel_loop3A_444 = arith.index_cast %parallel_loop3A_432 : i32 to index
        %parallel_loop3A_445 = arith.constant 16 : index
        %parallel_loop3A_446 = tpu.vector_load %arg6[%parallel_loop3A_443, %parallel_loop3A_444, %parallel_loop3A_445] {strides = array<i32>} : memref<4x128x64xf32, #tpu.memory_space<vmem>>, vector<16xf32>,
        %parallel_loop3A_447 = arith.constant 0 : i32
        %parallel_loop3A_448 = arith.constant 0 : i32
        %parallel_loop3A_449 = arith.constant 0 : i32
        %parallel_loop3A_450 = tpu.memref_slice %arg7[%select_n3A_384, %parallel_loop3A_447, %parallel_loop3A_448, %parallel_loop3A_449] : memref<4x8x8x129xf32, #tpu.memory_space<vmem>> -> memref<1x8x8x129xf32, #tpu.memory_space<vmem>>
        %parallel_loop3A_451 = tpu.memref_squeeze %parallel_loop3A_450 : memref<1x8x8x129xf32, #tpu.memory_space<vmem>> -> memref<8x8x129xf32, #tpu.memory_space<vmem>>
        tpu.vector_store_idx %parallel_loop3A_451[%select_n3A_62, %select_n3A_179, %parallel_loop3A_433], %parallel_loop3A_446 : memref<8x8x129xf32, #tpu.memory_space<vmem>>[vector<16xi32>, vector<16xi32>, vector<16xi32>], vector<16xf32>,
        %parallel_loop3A_452 = arith.index_cast %select_n3A_384 : i32 to index
        %parallel_loop3A_453 = arith.index_cast %parallel_loop3A_432 : i32 to index
        %parallel_loop3A_454 = arith.constant 32 : index
        %parallel_loop3A_455 = tpu.vector_load %arg6[%parallel_loop3A_452, %parallel_loop3A_453, %parallel_loop3A_454] {strides = array<i32>} : memref<4x128x64xf32, #tpu.memory_space<vmem>>, vector<16xf32>,
        %parallel_loop3A_456 = arith.constant 0 : i32
        %parallel_loop3A_457 = arith.constant 0 : i32
        %parallel_loop3A_458 = arith.constant 0 : i32
        %parallel_loop3A_459 = tpu.memref_slice %arg7[%select_n3A_384, %parallel_loop3A_456, %parallel_loop3A_457, %parallel_loop3A_458] : memref<4x8x8x129xf32, #tpu.memory_space<vmem>> -> memref<1x8x8x129xf32, #tpu.memory_space<vmem>>
        %parallel_loop3A_460 = tpu.memref_squeeze %parallel_loop3A_459 : memref<1x8x8x129xf32, #tpu.memory_space<vmem>> -> memref<8x8x129xf32, #tpu.memory_space<vmem>>
        tpu.vector_store_idx %parallel_loop3A_460[%select_n3A_96, %select_n3A_204, %parallel_loop3A_433], %parallel_loop3A_455 : memref<8x8x129xf32, #tpu.memory_space<vmem>>[vector<16xi32>, vector<16xi32>, vector<16xi32>], vector<16xf32>,
        %parallel_loop3A_461 = arith.index_cast %select_n3A_384 : i32 to index
        %parallel_loop3A_462 = arith.index_cast %parallel_loop3A_432 : i32 to index
        %parallel_loop3A_463 = arith.constant 48 : index
        %parallel_loop3A_464 = tpu.vector_load %arg6[%parallel_loop3A_461, %parallel_loop3A_462, %parallel_loop3A_463] {strides = array<i32>} : memref<4x128x64xf32, #tpu.memory_space<vmem>>, vector<16xf32>,
        %parallel_loop3A_465 = arith.constant 0 : i32
        %parallel_loop3A_466 = arith.constant 0 : i32
        %parallel_loop3A_467 = arith.constant 0 : i32
        %parallel_loop3A_468 = tpu.memref_slice %arg7[%select_n3A_384, %parallel_loop3A_465, %parallel_loop3A_466, %parallel_loop3A_467] : memref<4x8x8x129xf32, #tpu.memory_space<vmem>> -> memref<1x8x8x129xf32, #tpu.memory_space<vmem>>
        %parallel_loop3A_469 = tpu.memref_squeeze %parallel_loop3A_468 : memref<1x8x8x129xf32, #tpu.memory_space<vmem>> -> memref<8x8x129xf32, #tpu.memory_space<vmem>>
        tpu.vector_store_idx %parallel_loop3A_469[%select_n3A_130, %select_n3A_229, %parallel_loop3A_433], %parallel_loop3A_464 : memref<8x8x129xf32, #tpu.memory_space<vmem>>[vector<16xi32>, vector<16xi32>, vector<16xi32>], vector<16xf32>,
      } {sc.loop_unroll_factor = 8 : i64, sc.parallel_access}
      %dma_start3A_410 = arith.constant 0 : i32
      %dma_start3A_411 = arith.constant 0 : i32
      %dma_start3A_412 = arith.constant 0 : i32
      %dma_start3A_413 = tpu.memref_slice %arg7[%select_n3A_384, %dma_start3A_410, %dma_start3A_411, %dma_start3A_412] : memref<4x8x8x129xf32, #tpu.memory_space<vmem>> -> memref<1x8x8x128xf32, #tpu.memory_space<vmem>>
      %dma_start3A_414 = tpu.memref_squeeze %dma_start3A_413 : memref<1x8x8x128xf32, #tpu.memory_space<vmem>> -> memref<8x8x128xf32, #tpu.memory_space<vmem>>
      %dma_start3A_415 = arith.constant 0 : i32
      %dma_start3A_416 = arith.constant 0 : i32
      %dma_start3A_417 = arith.constant 0 : i32
      %dma_start3A_418 = tpu.memref_slice %arg4[%scan3A_368, %dma_start3A_415, %add3A, %dma_start3A_416, %dma_start3A_417] : memref<50x8x32x8x128xf32, #tpu.memory_space<hbm>> -> memref<1x8x1x8x128xf32, #tpu.memory_space<hbm>>
      %dma_start3A_419 = tpu.memref_squeeze %dma_start3A_418 : memref<1x8x1x8x128xf32, #tpu.memory_space<hbm>> -> memref<8x8x128xf32, #tpu.memory_space<hbm>>
      %dma_start3A_420 = tpu.memref_slice %arg10[%select_n3A_384] : memref<4x!tpu.dma_semaphore, #tpu.memory_space<semaphore_mem>> -> memref<1x!tpu.dma_semaphore, #tpu.memory_space<semaphore_mem>>
      %dma_start3A_421 = tpu.memref_squeeze %dma_start3A_420 : memref<1x!tpu.dma_semaphore, #tpu.memory_space<semaphore_mem>> -> memref<!tpu.dma_semaphore, #tpu.memory_space<semaphore_mem>>
      %dma_start3A_422 = arith.constant 0 : i32
      %dma_start3A_423 = arith.constant 0 : i32
      %dma_start3A_424 = arith.constant 0 : i32
      %dma_start3A_425 = tpu.memref_slice %arg4[%scan3A_368, %dma_start3A_422, %add3A, %dma_start3A_423, %dma_start3A_424] : memref<50x8x32x8x128xf32, #tpu.memory_space<hbm>> -> memref<1x8x1x8x128xf32, #tpu.memory_space<hbm>>
      %dma_start3A_426 = tpu.memref_squeeze %dma_start3A_425 : memref<1x8x1x8x128xf32, #tpu.memory_space<hbm>> -> memref<8x8x128xf32, #tpu.memory_space<hbm>>
      %dma_start3A_427 = arith.constant 0 : i32
      %dma_start3A_428 = arith.constant 0 : i32
      %dma_start3A_429 = arith.constant 0 : i32
      %dma_start3A_430 = tpu.memref_slice %arg7[%select_n3A_384, %dma_start3A_427, %dma_start3A_428, %dma_start3A_429] : memref<4x8x8x129xf32, #tpu.memory_space<vmem>> -> memref<1x8x8x128xf32, #tpu.memory_space<vmem>>
      %dma_start3A_431 = tpu.memref_squeeze %dma_start3A_430 : memref<1x8x8x128xf32, #tpu.memory_space<vmem>> -> memref<8x8x128xf32, #tpu.memory_space<vmem>>
      tpu.enqueue_dma source(%dma_start3A_431 : memref<8x8x128xf32, #tpu.memory_space<vmem>>) target(%dma_start3A_426 : memref<8x8x128xf32, #tpu.memory_space<hbm>>) target_semaphore(%dma_start3A_421 : memref<!tpu.dma_semaphore, #tpu.memory_space<semaphore_mem>>)
    }
    %scan3A_268 = arith.constant 50 : i32
    %dma_wait3A = arith.constant 2 : i32
    %dma_wait3A_269 = arith.constant 46 : i32
    %dma_wait3A_270 = arith.constant 2 : i32
    %dma_wait3A_271 = arith.constant 0 : i32
    %dma_wait3A_272 = arith.constant 0 : i32
    %dma_wait3A_273 = arith.constant 0 : i32
    %dma_wait3A_274 = tpu.memref_slice %arg7[%dma_wait3A, %dma_wait3A_271, %dma_wait3A_272, %dma_wait3A_273] : memref<4x8x8x129xf32, #tpu.memory_space<vmem>> -> memref<1x8x8x128xf32, #tpu.memory_space<vmem>>
    %dma_wait3A_275 = tpu.memref_squeeze %dma_wait3A_274 : memref<1x8x8x128xf32, #tpu.memory_space<vmem>> -> memref<8x8x128xf32, #tpu.memory_space<vmem>>
    %dma_wait3A_276 = arith.constant 0 : i32
    %dma_wait3A_277 = arith.constant 0 : i32
    %dma_wait3A_278 = arith.constant 0 : i32
    %dma_wait3A_279 = tpu.memref_slice %arg4[%dma_wait3A_269, %dma_wait3A_276, %add3A, %dma_wait3A_277, %dma_wait3A_278] : memref<50x8x32x8x128xf32, #tpu.memory_space<hbm>> -> memref<1x8x1x8x128xf32, #tpu.memory_space<hbm>>
    %dma_wait3A_280 = tpu.memref_squeeze %dma_wait3A_279 : memref<1x8x1x8x128xf32, #tpu.memory_space<hbm>> -> memref<8x8x128xf32, #tpu.memory_space<hbm>>
    %dma_wait3A_281 = tpu.memref_slice %arg10[%dma_wait3A_270] : memref<4x!tpu.dma_semaphore, #tpu.memory_space<semaphore_mem>> -> memref<1x!tpu.dma_semaphore, #tpu.memory_space<semaphore_mem>>
    %dma_wait3A_282 = tpu.memref_squeeze %dma_wait3A_281 : memref<1x!tpu.dma_semaphore, #tpu.memory_space<semaphore_mem>> -> memref<!tpu.dma_semaphore, #tpu.memory_space<semaphore_mem>>
    %dma_wait3A_283 = arith.constant 0 : i32
    %dma_wait3A_284 = arith.constant 0 : i32
    %dma_wait3A_285 = arith.constant 0 : i32
    %dma_wait3A_286 = tpu.memref_slice %arg4[%dma_wait3A_269, %dma_wait3A_283, %add3A, %dma_wait3A_284, %dma_wait3A_285] : memref<50x8x32x8x128xf32, #tpu.memory_space<hbm>> -> memref<1x8x1x8x128xf32, #tpu.memory_space<hbm>>
    %dma_wait3A_287 = tpu.memref_squeeze %dma_wait3A_286 : memref<1x8x1x8x128xf32, #tpu.memory_space<hbm>> -> memref<8x8x128xf32, #tpu.memory_space<hbm>>
    %dma_wait3A_288 = arith.constant 0 : i32
    %dma_wait3A_289 = arith.constant 0 : i32
    %dma_wait3A_290 = arith.constant 0 : i32
    %dma_wait3A_291 = tpu.memref_slice %arg7[%dma_wait3A, %dma_wait3A_288, %dma_wait3A_289, %dma_wait3A_290] : memref<4x8x8x129xf32, #tpu.memory_space<vmem>> -> memref<1x8x8x128xf32, #tpu.memory_space<vmem>>
    %dma_wait3A_292 = tpu.memref_squeeze %dma_wait3A_291 : memref<1x8x8x128xf32, #tpu.memory_space<vmem>> -> memref<8x8x128xf32, #tpu.memory_space<vmem>>
    tpu.wait_dma2 semaphore(%dma_wait3A_282 : memref<!tpu.dma_semaphore, #tpu.memory_space<semaphore_mem>>) src(%dma_wait3A_292 : memref<8x8x128xf32, #tpu.memory_space<vmem>>) dst(%dma_wait3A_287 : memref<8x8x128xf32, #tpu.memory_space<hbm>>)
    %dma_wait3A_293 = arith.constant 3 : i32
    %dma_wait3A_294 = arith.constant 47 : i32
    %dma_wait3A_295 = arith.constant 3 : i32
    %dma_wait3A_296 = arith.constant 0 : i32
    %dma_wait3A_297 = arith.constant 0 : i32
    %dma_wait3A_298 = arith.constant 0 : i32
    %dma_wait3A_299 = tpu.memref_slice %arg7[%dma_wait3A_293, %dma_wait3A_296, %dma_wait3A_297, %dma_wait3A_298] : memref<4x8x8x129xf32, #tpu.memory_space<vmem>> -> memref<1x8x8x128xf32, #tpu.memory_space<vmem>>
    %dma_wait3A_300 = tpu.memref_squeeze %dma_wait3A_299 : memref<1x8x8x128xf32, #tpu.memory_space<vmem>> -> memref<8x8x128xf32, #tpu.memory_space<vmem>>
    %dma_wait3A_301 = arith.constant 0 : i32
    %dma_wait3A_302 = arith.constant 0 : i32
    %dma_wait3A_303 = arith.constant 0 : i32
    %dma_wait3A_304 = tpu.memref_slice %arg4[%dma_wait3A_294, %dma_wait3A_301, %add3A, %dma_wait3A_302, %dma_wait3A_303] : memref<50x8x32x8x128xf32, #tpu.memory_space<hbm>> -> memref<1x8x1x8x128xf32, #tpu.memory_space<hbm>>
    %dma_wait3A_305 = tpu.memref_squeeze %dma_wait3A_304 : memref<1x8x1x8x128xf32, #tpu.memory_space<hbm>> -> memref<8x8x128xf32, #tpu.memory_space<hbm>>
    %dma_wait3A_306 = tpu.memref_slice %arg10[%dma_wait3A_295] : memref<4x!tpu.dma_semaphore, #tpu.memory_space<semaphore_mem>> -> memref<1x!tpu.dma_semaphore, #tpu.memory_space<semaphore_mem>>
    %dma_wait3A_307 = tpu.memref_squeeze %dma_wait3A_306 : memref<1x!tpu.dma_semaphore, #tpu.memory_space<semaphore_mem>> -> memref<!tpu.dma_semaphore, #tpu.memory_space<semaphore_mem>>
    %dma_wait3A_308 = arith.constant 0 : i32
    %dma_wait3A_309 = arith.constant 0 : i32
    %dma_wait3A_310 = arith.constant 0 : i32
    %dma_wait3A_311 = tpu.memref_slice %arg4[%dma_wait3A_294, %dma_wait3A_308, %add3A, %dma_wait3A_309, %dma_wait3A_310] : memref<50x8x32x8x128xf32, #tpu.memory_space<hbm>> -> memref<1x8x1x8x128xf32, #tpu.memory_space<hbm>>
    %dma_wait3A_312 = tpu.memref_squeeze %dma_wait3A_311 : memref<1x8x1x8x128xf32, #tpu.memory_space<hbm>> -> memref<8x8x128xf32, #tpu.memory_space<hbm>>
    %dma_wait3A_313 = arith.constant 0 : i32
    %dma_wait3A_314 = arith.constant 0 : i32
    %dma_wait3A_315 = arith.constant 0 : i32
    %dma_wait3A_316 = tpu.memref_slice %arg7[%dma_wait3A_293, %dma_wait3A_313, %dma_wait3A_314, %dma_wait3A_315] : memref<4x8x8x129xf32, #tpu.memory_space<vmem>> -> memref<1x8x8x128xf32, #tpu.memory_space<vmem>>
    %dma_wait3A_317 = tpu.memref_squeeze %dma_wait3A_316 : memref<1x8x8x128xf32, #tpu.memory_space<vmem>> -> memref<8x8x128xf32, #tpu.memory_space<vmem>>
    tpu.wait_dma2 semaphore(%dma_wait3A_307 : memref<!tpu.dma_semaphore, #tpu.memory_space<semaphore_mem>>) src(%dma_wait3A_317 : memref<8x8x128xf32, #tpu.memory_space<vmem>>) dst(%dma_wait3A_312 : memref<8x8x128xf32, #tpu.memory_space<hbm>>)
    %dma_wait3A_318 = arith.constant 0 : i32
    %dma_wait3A_319 = arith.constant 48 : i32
    %dma_wait3A_320 = arith.constant 0 : i32
    %dma_wait3A_321 = arith.constant 0 : i32
    %dma_wait3A_322 = arith.constant 0 : i32
    %dma_wait3A_323 = arith.constant 0 : i32
    %dma_wait3A_324 = tpu.memref_slice %arg7[%dma_wait3A_318, %dma_wait3A_321, %dma_wait3A_322, %dma_wait3A_323] : memref<4x8x8x129xf32, #tpu.memory_space<vmem>> -> memref<1x8x8x128xf32, #tpu.memory_space<vmem>>
    %dma_wait3A_325 = tpu.memref_squeeze %dma_wait3A_324 : memref<1x8x8x128xf32, #tpu.memory_space<vmem>> -> memref<8x8x128xf32, #tpu.memory_space<vmem>>
    %dma_wait3A_326 = arith.constant 0 : i32
    %dma_wait3A_327 = arith.constant 0 : i32
    %dma_wait3A_328 = arith.constant 0 : i32
    %dma_wait3A_329 = tpu.memref_slice %arg4[%dma_wait3A_319, %dma_wait3A_326, %add3A, %dma_wait3A_327, %dma_wait3A_328] : memref<50x8x32x8x128xf32, #tpu.memory_space<hbm>> -> memref<1x8x1x8x128xf32, #tpu.memory_space<hbm>>
    %dma_wait3A_330 = tpu.memref_squeeze %dma_wait3A_329 : memref<1x8x1x8x128xf32, #tpu.memory_space<hbm>> -> memref<8x8x128xf32, #tpu.memory_space<hbm>>
    %dma_wait3A_331 = tpu.memref_slice %arg10[%dma_wait3A_320] : memref<4x!tpu.dma_semaphore, #tpu.memory_space<semaphore_mem>> -> memref<1x!tpu.dma_semaphore, #tpu.memory_space<semaphore_mem>>
    %dma_wait3A_332 = tpu.memref_squeeze %dma_wait3A_331 : memref<1x!tpu.dma_semaphore, #tpu.memory_space<semaphore_mem>> -> memref<!tpu.dma_semaphore, #tpu.memory_space<semaphore_mem>>
    %dma_wait3A_333 = arith.constant 0 : i32
    %dma_wait3A_334 = arith.constant 0 : i32
    %dma_wait3A_335 = arith.constant 0 : i32
    %dma_wait3A_336 = tpu.memref_slice %arg4[%dma_wait3A_319, %dma_wait3A_333, %add3A, %dma_wait3A_334, %dma_wait3A_335] : memref<50x8x32x8x128xf32, #tpu.memory_space<hbm>> -> memref<1x8x1x8x128xf32, #tpu.memory_space<hbm>>
    %dma_wait3A_337 = tpu.memref_squeeze %dma_wait3A_336 : memref<1x8x1x8x128xf32, #tpu.memory_space<hbm>> -> memref<8x8x128xf32, #tpu.memory_space<hbm>>
    %dma_wait3A_338 = arith.constant 0 : i32
    %dma_wait3A_339 = arith.constant 0 : i32
    %dma_wait3A_340 = arith.constant 0 : i32
    %dma_wait3A_341 = tpu.memref_slice %arg7[%dma_wait3A_318, %dma_wait3A_338, %dma_wait3A_339, %dma_wait3A_340] : memref<4x8x8x129xf32, #tpu.memory_space<vmem>> -> memref<1x8x8x128xf32, #tpu.memory_space<vmem>>
    %dma_wait3A_342 = tpu.memref_squeeze %dma_wait3A_341 : memref<1x8x8x128xf32, #tpu.memory_space<vmem>> -> memref<8x8x128xf32, #tpu.memory_space<vmem>>
    tpu.wait_dma2 semaphore(%dma_wait3A_332 : memref<!tpu.dma_semaphore, #tpu.memory_space<semaphore_mem>>) src(%dma_wait3A_342 : memref<8x8x128xf32, #tpu.memory_space<vmem>>) dst(%dma_wait3A_337 : memref<8x8x128xf32, #tpu.memory_space<hbm>>)
    %dma_wait3A_343 = arith.constant 1 : i32
    %dma_wait3A_344 = arith.constant 49 : i32
    %dma_wait3A_345 = arith.constant 1 : i32
    %dma_wait3A_346 = arith.constant 0 : i32
    %dma_wait3A_347 = arith.constant 0 : i32
    %dma_wait3A_348 = arith.constant 0 : i32
    %dma_wait3A_349 = tpu.memref_slice %arg7[%dma_wait3A_343, %dma_wait3A_346, %dma_wait3A_347, %dma_wait3A_348] : memref<4x8x8x129xf32, #tpu.memory_space<vmem>> -> memref<1x8x8x128xf32, #tpu.memory_space<vmem>>
    %dma_wait3A_350 = tpu.memref_squeeze %dma_wait3A_349 : memref<1x8x8x128xf32, #tpu.memory_space<vmem>> -> memref<8x8x128xf32, #tpu.memory_space<vmem>>
    %dma_wait3A_351 = arith.constant 0 : i32
    %dma_wait3A_352 = arith.constant 0 : i32
    %dma_wait3A_353 = arith.constant 0 : i32
    %dma_wait3A_354 = tpu.memref_slice %arg4[%dma_wait3A_344, %dma_wait3A_351, %add3A, %dma_wait3A_352, %dma_wait3A_353] : memref<50x8x32x8x128xf32, #tpu.memory_space<hbm>> -> memref<1x8x1x8x128xf32, #tpu.memory_space<hbm>>
    %dma_wait3A_355 = tpu.memref_squeeze %dma_wait3A_354 : memref<1x8x1x8x128xf32, #tpu.memory_space<hbm>> -> memref<8x8x128xf32, #tpu.memory_space<hbm>>
    %dma_wait3A_356 = tpu.memref_slice %arg10[%dma_wait3A_345] : memref<4x!tpu.dma_semaphore, #tpu.memory_space<semaphore_mem>> -> memref<1x!tpu.dma_semaphore, #tpu.memory_space<semaphore_mem>>
    %dma_wait3A_357 = tpu.memref_squeeze %dma_wait3A_356 : memref<1x!tpu.dma_semaphore, #tpu.memory_space<semaphore_mem>> -> memref<!tpu.dma_semaphore, #tpu.memory_space<semaphore_mem>>
    %dma_wait3A_358 = arith.constant 0 : i32
    %dma_wait3A_359 = arith.constant 0 : i32
    %dma_wait3A_360 = arith.constant 0 : i32
    %dma_wait3A_361 = tpu.memref_slice %arg4[%dma_wait3A_344, %dma_wait3A_358, %add3A, %dma_wait3A_359, %dma_wait3A_360] : memref<50x8x32x8x128xf32, #tpu.memory_space<hbm>> -> memref<1x8x1x8x128xf32, #tpu.memory_space<hbm>>
    %dma_wait3A_362 = tpu.memref_squeeze %dma_wait3A_361 : memref<1x8x1x8x128xf32, #tpu.memory_space<hbm>> -> memref<8x8x128xf32, #tpu.memory_space<hbm>>
    %dma_wait3A_363 = arith.constant 0 : i32
    %dma_wait3A_364 = arith.constant 0 : i32
    %dma_wait3A_365 = arith.constant 0 : i32
    %dma_wait3A_366 = tpu.memref_slice %arg7[%dma_wait3A_343, %dma_wait3A_363, %dma_wait3A_364, %dma_wait3A_365] : memref<4x8x8x129xf32, #tpu.memory_space<vmem>> -> memref<1x8x8x128xf32, #tpu.memory_space<vmem>>
    %dma_wait3A_367 = tpu.memref_squeeze %dma_wait3A_366 : memref<1x8x8x128xf32, #tpu.memory_space<vmem>> -> memref<8x8x128xf32, #tpu.memory_space<vmem>>
    tpu.wait_dma2 semaphore(%dma_wait3A_357 : memref<!tpu.dma_semaphore, #tpu.memory_space<semaphore_mem>>) src(%dma_wait3A_367 : memref<8x8x128xf32, #tpu.memory_space<vmem>>) dst(%dma_wait3A_362 : memref<8x8x128xf32, #tpu.memory_space<hbm>>)
    return
  }
}

</mosaic_0001>

<sc_bundles>
// kernel: _run.3.cloned.1.call-start
scs
__scs_entry_jumppad:
0x0: {  	(pc) =	sbr.rel $0x88, $3  }
0x1: {  	(tag) =	ssettag $0x0;
	lr =	simm.s32 $0x1  }
0x2: {  	[smem:$0x3F9F] =	sst lr;
	_ =	strace $0xD0000000  }
0x3: {  	_ = 	snop  }
0x4: {  	_ = 	snop  }
0x5: {  	_ = 	snop  }
0x6: {  	_ = 	snop  }
0x7: {  	_ = 	snop  }
__scs_overlays_trampoline_lowered:
0x8: {  	[smem:$0x3FAE] =	sst s0  }
0x9: {  	[smem:$0x3FAF] =	sst s1  }
0xa: {  	[smem:$0x3FB0] =	sst s2  }
0xb: {  	[smem:$0x3FB1] =	sst s3  }
0xc: {  	[smem:$0x3FB2] =	sst s4  }
0xd: {  	[smem:$0x3FB3] =	sst s5  }
0xe: {  	[smem:$0x3FB4] =	sst s6  }
0xf: {  	[smem:$0x3FB5] =	sst s7  }
0x10: {  	[smem:$0x3FB6] =	sst s8  }
0x11: {  	[smem:$0x3FB7] =	sst s9;
	s0 =	simm.s32 @!p0 $0x0  }
0x12: {  	s1 =	sld [smem:$0x3F9D];
	s0 =	simm.s32 @p0 $0x1  }
0x13: {  	[smem:$0x3FB8] =	sst s0;
	s0 =	simm.s32 @!p1 $0x0  }
0x14: {  	s2 =	sld [smem:$0x3F9C];
	s0 =	simm.s32 @p1 $0x1  }
0x15: {  	[smem:$0x3FB9] =	sst s0;
	s0 =	simm.s32 @!p2 $0x0  }
0x16: {  	s3 =	sld [smem:$0x3FDB];
	s0 =	simm.s32 @p2 $0x1  }
0x17: {  	s4 =	simm.s32 $0x1BF5;
	[smem:$0x3FBB] =	sst s0  }
0x18: {  	s0 =	sld [smem:$0x3F9E];
	_ =	swait.ge [sflag:s4], $0x0  }
0x19: {  	s7 =	sld [smem:$0x3F9F]  }
0x1a: {  	s8 =	sadd.s32 $0xFFFFE003, lr  }
0x1b: {  	s9 =	sadd.s32 $0xFFFFFEF7, lr;
	s5 =	simm.s32 $0xFFFFFFFF;
	p2 =	slt.u32 s8, $0xFFFFF086  }
0x1c: {  	p1 =	slt.u32 s9, $0xF7A;
	s5 =	simm.s32 @!p2 $0x0  }
0x1d: {  	s5 =	simm.s32 @p1 $0x1;
	p0 =	seq.s32 s7, s2  }
0x1e: {  	s7 =	smul.u32 @!p0 $0xF7A, s2;
	p2 =	seq.s32 @!p0 s5, $0x0  }
0x1f: {  	s9 =	smul.u32 $0xF7A, s1;
	s8 =	simm.s32 @!p0 $0x1BF5;
	p2 =	por !p2, p0  }
0x20: {  	[sflag:s8] =	ssyncset.s32 @!p0 $0xFFFFF086;
	s6 =	sadd.s32 @!p0 s3, s7;
	s7 =	simm.s32 @!p0 $0x108  }
0x21: {  	s3 =	sadd.s32 s3, s9;
	s6 =	sadd.s32 @!p0 $0x88, s6;
	s7 =	simm.s32 @p2 $0x1082  }
0x22: {  	[simem:s7], [sflag:s8] =	dma.local @!p0 [hbm:s6], $0xF7A  }
0x23: {  	s9 =	sor.u32 $0xD0000000, s2;
	s6 =	simm.s32 $0x108;
	_ =	swait.ge @!p0 [sflag:s8], $0x0  }
0x24: {  	s3 =	sadd.s32 $0x88, s3;
	s6 =	simm.s32 @!p1 $0x1082;
	[sflag:s4] =	ssyncset.s32 $0xFFFFF086  }
0x25: {  	[simem:s6], [sflag:s4] =	dma.local [hbm:s3], $0xF7A  }
0x26: {  	[smem:$0x3F9F] =	sst s1;
	(tag) =	ssettag s2;
	_ =	strace s9  }
0x27: {  	s1 =	sld [smem:$0x3FAF]  }
0x28: {  	s2 =	sld [smem:$0x3FB0]  }
0x29: {  	s4 =	sld [smem:$0x3FB2]  }
0x2a: {  	p0 =	seq.s32 s5, $0x0;
	s5 =	sld [smem:$0x3FB3]  }
0x2b: {  	s6 =	sld [smem:$0x3FB4]  }
0x2c: {  	s7 =	sld [smem:$0x3FB5]  }
0x2d: {  	s3 =	simm.s32 $0x108;
	s8 =	sld [smem:$0x3FB6]  }
0x2e: {  	s3 =	simm.s32 @!p0 $0x1082;
	s9 =	sld [smem:$0x3FB7]  }
0x2f: {  	lr =	sadd.s32 s0, s3;
	s0 =	sld [smem:$0x3FAE]  }
0x30: {  	s3 =	sld [smem:$0x3FB1]  }
0x31: {  	[smem:$0x3FBA] =	sst s10  }
0x32: {  	s10 =	sld [smem:$0x3FB8];
	_ =	sdelay $0x3  }
0x33: {  	p0 =	seq.s32 s10, $0x1;
	s10 =	sld [smem:$0x3FBA];
	_ =	sdelay $0x3  }
0x34: {  	[smem:$0x3FBA] =	sst s10  }
0x35: {  	s10 =	sld [smem:$0x3FB9];
	_ =	sdelay $0x3  }
0x36: {  	p1 =	seq.s32 s10, $0x1;
	s10 =	sld [smem:$0x3FBA];
	_ =	sdelay $0x3  }
0x37: {  	[smem:$0x3FBA] =	sst s10  }
0x38: {  	s10 =	sld [smem:$0x3FBB]  }
0x39: {  	_ = 	snop;
	(pc) =	sbr.ind lr, $3  }
0x3a: {  	_ = 	snop  }
0x3b: {  	_ = 	snop  }
0x3c: {  	p2 =	seq.s32 s10, $0x1;
	s10 =	sld [smem:$0x3FBA]  }
0x3d: {  	_ =	shalt  }
0x3e: {  	_ =	shalt  }
0x3f: {  	_ =	shalt  }
0x40: {  	_ =	shalt  }
0x41: {  	_ =	shalt  }
0x42: {  	_ =	shalt  }
0x43: {  	_ =	shalt  }
0x44: {  	_ =	shalt  }
0x45: {  	_ =	shalt  }
0x46: {  	_ =	shalt  }
0x47: {  	_ =	shalt  }
0x48: {  	_ =	shalt  }
0x49: {  	_ =	shalt  }
0x4a: {  	_ =	shalt  }
0x4b: {  	_ =	shalt  }
0x4c: {  	_ =	shalt  }
0x4d: {  	_ =	shalt  }
0x4e: {  	_ =	shalt  }
0x4f: {  	_ =	shalt  }
0x50: {  	_ =	shalt  }
0x51: {  	_ =	shalt  }
0x52: {  	_ =	shalt  }
0x53: {  	_ =	shalt  }
0x54: {  	_ =	shalt  }
0x55: {  	_ =	shalt  }
0x56: {  	_ =	shalt  }
0x57: {  	_ =	shalt  }
0x58: {  	_ =	shalt  }
0x59: {  	_ =	shalt  }
0x5a: {  	_ =	shalt  }
0x5b: {  	_ =	shalt  }
0x5c: {  	_ =	shalt  }
0x5d: {  	_ =	shalt  }
0x5e: {  	_ =	shalt  }
0x5f: {  	_ =	shalt  }
0x60: {  	_ =	shalt  }
0x61: {  	_ =	shalt  }
0x62: {  	_ =	shalt  }
0x63: {  	_ =	shalt  }
0x64: {  	_ =	shalt  }
0x65: {  	_ =	shalt  }
0x66: {  	_ =	shalt  }
0x67: {  	_ =	shalt  }
0x68: {  	_ =	shalt  }
0x69: {  	_ =	shalt  }
0x6a: {  	_ =	shalt  }
0x6b: {  	_ =	shalt  }
0x6c: {  	_ =	shalt  }
0x6d: {  	_ =	shalt  }
0x6e: {  	_ =	shalt  }
0x6f: {  	_ =	shalt  }
0x70: {  	_ =	shalt  }
0x71: {  	_ =	shalt  }
0x72: {  	_ =	shalt  }
0x73: {  	_ =	shalt  }
0x74: {  	_ =	shalt  }
0x75: {  	_ =	shalt  }
0x76: {  	_ =	shalt  }
0x77: {  	_ =	shalt  }
0x78: {  	_ =	shalt  }
0x79: {  	_ =	shalt  }
0x7a: {  	_ =	shalt  }
0x7b: {  	_ =	shalt  }
0x7c: {  	_ =	shalt  }
0x7d: {  	_ =	shalt  }
0x7e: {  	_ =	shalt  }
0x7f: {  	_ =	shalt  }
0x80: {  	_ =	shalt  }
0x81: {  	_ =	shalt  }
0x82: {  	_ =	shalt  }
0x83: {  	_ =	shalt  }
0x84: {  	_ =	shalt  }
0x85: {  	_ =	shalt  }
0x86: {  	_ =	shalt  }
0x87: {  	_ =	shalt  }
.Lfunc_end0:
.L_simem_size_0:
called_computation_lowered:
.L_overlay_start_0:
0x88: {  	s2 =	sld [smem:$0x3FD9]  }
0x89: {  	s3 =	sld [smem:$0x3FFE];
	_ =	sdelay $0x1  }
0x8a: {  	s1 =	srdreg.scid  }
0x8b: {  	s0 =	sand.u32 $0x1, s1  }
0x8c: {  	s17 =	sshll.u32 s0, $0xA;
	s2 =	sadd.s32 s3, s2  }
0x8d: {  	s2 =	sadd.s32 s2, s17  }
0x8e: {  	[smem:$0x3FC6] =	sst s2  }
0x8f: {  	_ = 	snop  }
0x90: {  	s2 =	sld [smem:$0x3FD0];
	(tm) =	ssettm $0x1  }
0x91: {  	s18 =	sld [smem:$0x3FFB];
	_ =	sdelay $0x3  }
0x92: {  	_ =	strace s18  }
0x93: {  	s3 =	sld [smem:$0x3FFC];
	_ =	sdelay $0x3  }
0x94: {  	_ =	strace s3  }
0x95: {  	s3 =	sld [smem:$0x3FFD];
	_ =	sdelay $0x3  }
0x96: {  	_ =	strace s3  }
0x97: {  	_ =	strace $0x8FFFFFFF  }
0x98: {  	s19 =	sld [smem:$0x3FDB];
	_ =	sdelay $0x1  }
0x99: {  	s4 =	simm.s32 $_scs_section_size  }
0x9a: {  	s5 =	simm.s32 $_size__tile_overlayer_lowered;
	s6 =	simm.s32 $_tile_overlayer_lowered  }
0x9b: {  	s22 =	simm.s32 $0x1BFF;
	s21 =	sshll.u32 s6, $0x1;
	s3 =	sadd.s32 s4, s19  }
0x9c: {  	s7 =	simm.s32 $0x0;
	s20 =	sshll.u32 s5, $0x1;
	s5 =	sadd.s32 s21, s3  }
0x9d: {  	[timem:s7], [sflag:s22] =	dma.local [hbm:s5], s20  }
0x9e: {  	_ =	swait.ge [sflag:s22], s20  }
0x9f: {  	s4 =	ssub.s32 $0x0, s20;
	[sflag:s22] =	ssyncset.done $0x0  }
0xa0: {  	[sflag:s22] =	ssyncadd.s32 s4;
	_ =	sdelay $0x1  }
0xa1: {  	s23 =	simm.s32 $0x1B8B  }
0xa2: {  	_ =	swait.ge [sflag:s23], $0x1  }
0xa3: {  	[sflag:s23] =	ssyncset.done $0x0  }
0xa4: {  	s25 =	simm.s32 $0x1B8E;
	s24 =	sld [smem:$0x3FFE];
	[sflag:s23] =	ssyncadd.s32 $0xFFFFFFFF  }
0xa5: {  	s26 =	simm.s32 $execute0_lowered;
	[smem:$0x3FD2] =	sst s25  }
0xa6: {  	s5 =	sshll.u32 s26, $0x1;
	_ =	strace $0x80000046;
	[dreg:$0x1] =	wrdreg $0xFFFFFFFF  }
0xa7: {  	s28 =	simm.s32 $_size_execute0_lowered;
	s3 =	sadd.s32 s3, s5;
	[dreg:$0x0] =	wrdreg $0x0  }
0xa8: {  	s5 =	sshll.u32 s28, $0x1;
	[dreg:$0x2] =	wrdreg s3  }
0xa9: {  	[dreg:$0x3] =	wrdreg s5  }
0xaa: {  	[dreg:$0x4] =	wrdreg $0xC0  }
0xab: {  	_ =	task [dreg:s7], $0x5FFFF  }
0xac: {  	[dreg:$0x1] =	wrdreg $0xFFFFFFFF  }
0xad: {  	[dreg:$0x0] =	wrdreg $0x60  }
0xae: {  	[dreg:$0x2] =	wrdreg s24  }
0xaf: {  	[dreg:$0x3] =	wrdreg s2  }
0xb0: {  	[dreg:$0x4] =	wrdreg $0x121000  }
0xb1: {  	[dreg:$0x5] =	wrdreg $0x9  }
0xb2: {  	_ =	task.clear_ibuf [dreg:s7], $0x6FFFF;
	_ =	strace $0x90000046  }
0xb3: {  	s29 =	simm.s32 $0x9;
	_ =	strace $0x80000048  }
0xb4: {  	_ =	swait.ge [sflag:s29], $0x1  }
0xb5: {  	[sflag:s29] =	ssyncadd.s32 $0xFFFFFFFF  }
0xb6: {  	_ =	strace $0x90000048  }
0xb7: {  	_ =	sfence  }
0xb8: {  	s30 =	sld [smem:$0x0];
	_ =	sdelay $0x2  }
0xb9: {  	s31 =	sshll.u32 s1, $0xD;
	s1 =	sshrl.u32 s1, $0x2  }
0xba: {  	s3 =	sand.u32 $0x4000, s31;
	s1 =	sadd.s32 s1, s30  }
0xbb: {  	s0 =	sor.u32 s3, s0;
	s1 =	sshll.u32 s1, $0x11  }
0xbc: {  	s0 =	sor.u32 s1, s0  }
0xbd: {  	s0 =	sadd.s32 $0x8F2B, s0  }
0xbe: {  	[sflag:s0] =	ssyncadd.remote.s32 $0x1  }
0xbf: {  	_ =	sfence.sel $0xFFFF  }
0xc0: {  	[dreg:$0x0] =	wrdreg $0xFFFFFFFF;
	(pc) =	sbr.abs _section_cstart, $3  }
0xc1: {  	[dreg:$0x1] =	wrdreg $0xFFFFFFFF  }
0xc2: {  	_ =	task.clear_ibuf [dreg:s7], $0x2FFFF;
	_ =	strace $0x9FFFFFFF  }
0xc3: {  	(tm) =	ssettm $0x7FFFFFFF  }
tec
execute0_lowered:
.L_overlay_start_1:
0x0: {  	(tag) =	ssettag $0x1  }
0x1: {  	v0 =	vlaneseq.u32  }
0x2: {  	v0 =	vmul.u32 $0x88, v0  }
0x3: {  	v1 =	vimm.s32 $0x0;
	vm0 =	vcmask $0x300  }
0x4: {  	s3 =	rddreg [dreg:$0x0];
	v1 =	vsel vm0, $0x3, v1;
	v2 =	vadd.s32 $0x880, v0  }
0x5: {  	s5 =	rddreg [dreg:$0x1];
	s1 =	srdreg.scid;
	v3 =	vadd.s32 $0x1100, v0;
	v4 =	vadd.s32 $0x1980, v0;
	v5 =	vor.u32 $0x1, v0  }
0x6: {  	s7 =	stileid.u32;
	s0 =	rddreg [dreg:$0x2];
	v6 =	vadd.s32 $0x881, v0;
	v7 =	vadd.s32 $0x1101, v0;
	v8 =	vadd.s32 $0x1981, v0  }
0x7: {  	s2 =	simm.s32 $0x0;
	s10 =	simm.s32 $0x5;
	s11 =	simm.s32 $0x6;
	v9 =	vor.u32 $0x2, v0;
	v10 =	vadd.s32 $0x882, v0;
	v11 =	vadd.s32 $0x1102, v0  }
0x8: {  	s12 =	simm.s32 $0x0;
	s4 =	sand.u32 $0x1, s1;
	s1 =	rddreg [dreg:$0x3];
	v12 =	vadd.s32 $0x1982, v0;
	v13 =	vor.u32 $0x3, v0;
	v14 =	vadd.s32 $0x883, v0  }
0x9: {  	s6 =	sshll.u32 s7, $0x1;
	[smem:$0x7FF] =	sst s2;
	p0 =	sne.s32 s7, $0x0;
	v15 =	vadd.s32 $0x1103, v0;
	v16 =	vadd.s32 $0x1983, v0;
	v17 =	vor.u32 $0x4, v0  }
0xa: {  	s6 =	sor.u32 s4, s6;
	_ =	strace $0x80000047;
	s4 =	ssub.s32 $0x2, s4;
	v18 =	vadd.s32 $0x884, v0;
	v19 =	vadd.s32 $0x1104, v0;
	v20 =	vadd.s32 $0x1984, v0  }
0xb: {  	s8 =	smul.u32 $0x320, s6;
	s9 =	sshrl.u32 s4, $0x1;
	s6 =	sshll.u32 s6, $0x7;
	v21 =	vor.u32 $0x5, v0;
	v22 =	vadd.s32 $0x885, v0;
	v23 =	vadd.s32 $0x1105, v0  }
0xc: {  	s7 =	sshrl.u32 @!p0 s0, $0x3;
	v24 =	vadd.s32 $0x1985, v0;
	v25 =	vor.u32 $0x6, v0;
	v26 =	vadd.s32 $0x886, v0;
	s9 =	ssub.s32 s4, s9;
	s5 =	sadd.s32 s5, s6  }
0xd: {  	v27 =	vadd.s32 $0x1106, v0;
	v28 =	vadd.s32 $0x1986, v0;
	v29 =	vor.u32 $0x7, v0;
	s8 =	sadd.s32 s8, s3;
	s3 =	sadd.s32 $0x6A00, s3;
	s6 =	smax.u32 s9, $0x1  }
0xe: {  	v30 =	vadd.s32 $0x887, v0;
	v31 =	vadd.s32 $0x1107, v0;
	v32 =	vadd.s32 $0x1987, v0;
	s9 =	simm.s32 $0x8;
	s4 =	sadd.s32 $0x600, s8;
	s8 =	simm.s32 $0x7  }
.LBB2_1:
0xf: {  	s13 =	simm.s32 @p0 $0x0;
	s14 =	simm.s32 @p0 $0xA  }
0x10: {  	[tilespmem:s13], [sflag:$0xA] =	stream.linear.gather @p0 [hbm4b:s4+s13], $0x1900, $0x38;
	[tilespmem:$0x16F28] =	vst v63  }
0x11: {  	_ =	swait.ge @p0 [sflag:s14], $0x1900  }
0x12: {  	[sflag:s14] =	ssyncset.done @p0 $0x0  }
0x13: {  	s15 =	simm.s32 @p0 $0x1900;
	[sflag:s14] =	ssyncadd.s32 @p0 $0xFFFFE700;
	s14 =	simm.s32 @p0 $0x80  }
0x14: {  	[tilespmem:s15], [sflag:$0x1] =	stream.indirect.gather @p0 [hbm4b:s3+s14], $0x40, s13, s14, $0xb8;
	[tilespmem:$0x16F28] =	vst v63  }
0x15: {  	s13 =	simm.s32 @p0 $0x3900  }
0x16: {  	[tilespmem:s13], [sflag:$0x2] =	stream.indirect.gather @p0 [hbm4b:s3+s14], $0x40, s14, s14, $0xb8;
	[tilespmem:$0x16F28] =	vst v63  }
0x17: {  	s13 =	simm.s32 @!p0 $0x1C09  }
0x18: {  	[spmem:s7], [sflag:s13] =	dma.local @!p0 [hbm:s3], $0x9C48  }
0x19: {  	s14 =	simm.s32 @!p0 $0xA;
	s13 =	simm.s32 @!p0 $0x0  }
0x1a: {  	[tilespmem:s13], [sflag:$0xA] =	stream.linear.gather @!p0 [hbm4b:s4+s13], $0x1900, $0x38;
	[tilespmem:$0x16F28] =	vst v63  }
0x1b: {  	_ =	swait.ge @!p0 [sflag:s14], $0x1900  }
0x1c: {  	[sflag:s14] =	ssyncset.done @!p0 $0x0  }
0x1d: {  	s15 =	simm.s32 @!p0 $0x1900;
	[sflag:s14] =	ssyncadd.s32 @!p0 $0xFFFFE700;
	s14 =	simm.s32 @!p0 $0x80  }
0x1e: {  	[tilespmem:s15], [sflag:$0x1] =	stream.indirect.gather @!p0 [hbm4b:s3+s14], $0x40, s13, s14, $0xb8;
	[tilespmem:$0x16F28] =	vst v63  }
0x1f: {  	s13 =	simm.s32 @!p0 $0x3900  }
0x20: {  	[tilespmem:s13], [sflag:$0x2] =	stream.indirect.gather @!p0 [hbm4b:s3+s14], $0x40, s14, s14, $0xb8;
	[tilespmem:$0x16F28] =	vst v63  }
0x21: {  	s13 =	simm.s32 @!p0 $0x9  }
0x22: {  	_ =	swait.ge @!p0 [sflag:s13], $0x9C48  }
0x23: {  	[sflag:s13] =	ssyncset.done @!p0 $0x0  }
0x24: {  	[sflag:s13] =	ssyncadd.s32 @!p0 $0xFFFF63B8  }
0x25: {  	s14 =	simm.s32 $0x0;
	s13 =	simm.s32 $0x0;
	[bflag:$0x0] =	sbarrier.arrive $0xFFFF  }
.LBB2_2:
0x26: {  	s16 =	sand.u32 $0x3, s14  }
0x27: {  	p1 =	sgt.u32 s14, $0x2F;
	s28 =	simm.s32 $0x0;
	s29 =	simm.s32 $0x1  }
0x28: {  	s30 =	simm.s32 $0x2;
	s31 =	simm.s32 $0x3;
	s20 =	simm.s32 $0x7  }
0x29: {  	s21 =	simm.s32 $0x5;
	s22 =	simm.s32 $0x6;
	s15 =	sadd.s32 $0x1, s16  }
0x2a: {  	s17 =	sadd.s32 @!p1 $0x2, s14;
	p2 =	slt.u32 @!p1 s14, $0x4;
	_ =	swait.ge [sflag:s15], $0x2000  }
0x2b: {  	v33 =	vmov s28;
	s18 =	sand.u32 @!p1 $0x3, s17;
	s17 =	sshll.u32 @!p1 s17, $0x7;
	[sflag:s15] =	ssyncset.done $0x0  }
0x2c: {  	v34 =	vmov s29;
	v35 =	vmov s30;
	v36 =	vmov s31;
	s19 =	sshll.u32 @!p1 s18, $0xD;
	s17 =	sand.u32 @!p1 $0x3FFFFF80, s17;
	s18 =	sadd.s32 @!p1 $0x1, s18  }
0x2d: {  	v38 =	vmov s20;
	v39 =	vmov s21;
	v40 =	vmov s22;
	[sflag:s15] =	ssyncadd.s32 $0xFFFFE000;
	s15 =	sor.u32 @!p1 $0x1900, s19;
	s19 =	simm.s32 @!p1 $0x80  }
0x2e: {  	v33 =	vshrl.u32 v33, $0x3;
	v38 =	vshrl.u32 v38, $0x3;
	v34 =	vshrl.u32 v34, $0x3;
	[tilespmem:s15], [sflag:s18] =	stream.indirect.gather @!p1 [spmem:s0], $0x40, s17, s19, $0xb8;
	[tilespmem:$0x16F28] =	vst v63  }
0x2f: {  	v35 =	vshrl.u32 v35, $0x3;
	v36 =	vshrl.u32 v36, $0x3;
	v55 =	vshrl.u32 v39, $0x3;
	p1 =	por p1, !p2;
	s15 =	sadd.s32 $0x5, s16  }
0x30: {  	s23 =	sand.u32 $0x3, s13;
	v40 =	vshrl.u32 v40, $0x3;
	v33 =	vshll.u32 v33, v1;
	v38 =	vshll.u32 v38, v1;
	_ =	swait.ge @p1 [sflag:s15], $0x2000  }
0x31: {  	s24 =	sshll.u32 s23, $0xD;
	v34 =	vshll.u32 v34, v1;
	v51 =	vshll.u32 v35, v1;
	v38 =	vbroadcast v38, $0x0;
	[sflag:s15] =	ssyncset.done @p1 $0x0  }
0x32: {  	v52 =	vshll.u32 v36, v1;
	v36 =	vshll.u32 v55, v1;
	v33 =	vbroadcast v33, $0x0;
	s18 =	sor.u32 $0x1A00, s24;
	[sflag:s15] =	ssyncadd.s32 @p1 $0xFFFFE000  }
0x33: {  	v56 =	vshll.u32 v40, v1;
	v47 =	vbroadcast v34, $0x0;
	s19 =	simm.s32 $0x4;
	v42 =	vadd.s32 v29, v38;
	v41 =	vld [tilespmem:s18+$0xC0]  }
0x34: {  	v53 =	vbroadcast v51, $0x0;
	s16 =	smul.u32 $0x8800, s16;
	v37 =	vmov s19;
	v44 =	vadd.s32 v0, v33;
	v43 =	vld [tilespmem:s18+$0xFFFFFF00]  }
0x35: {  	v34 =	vbroadcast v52, $0x0;
	v46 =	vadd.s32 v5, v47;
	v37 =	vshrl.u32 v37, $0x3;
	v45 =	vld [tilespmem:s18+$0xFFFFFF40]  }
0x36: {  	v49 =	vadd.s32 v9, v53;
	s16 =	sshrl.u32 s16, $0x2;
	v54 =	vshll.u32 v37, v1;
	v37 =	vbroadcast v36, $0x0;
	v48 =	vld [tilespmem:s18+$0xFFFFFF80]  }
0x37: {  	v50 =	vadd.s32 v13, v34;
	s16 =	sadd.s32 $0x9900, s16;
	v36 =	vbroadcast v56, $0x0;
	v39 =	vld [tilespmem:s18+$0xFFFFFFC0]  }
0x38: {  	v35 =	vbroadcast v54, $0x0;
	v59 =	vld [tilespmem:s18+$0x40];
	v60 =	vadd.s32 v21, v37;
	[tilespmem:v42+s16+$0x0] =	vst.idx.msk $0xffff, v41  }
0x39: {  	v61 =	vld [tilespmem:s18+$0x80];
	v62 =	vadd.s32 v25, v36;
	[tilespmem:v44+s16+$0x0] =	vst.idx.msk $0xffff, v43  }
0x3a: {  	v51 =	vld [tilespmem:s18+$0x0];
	v52 =	vadd.s32 v17, v35;
	[tilespmem:v46+s16+$0x0] =	vst.idx.msk $0xffff, v45  }
0x3b: {  	v58 =	vadd.s32 v30, v38;
	[tilespmem:v49+s16+$0x0] =	vst.idx.msk $0xffff, v48;
	v57 =	vld [tilespmem:s18+$0xD0]  }
0x3c: {  	v63 =	vadd.s32 v6, v47;
	[tilespmem:v50+s16+$0x0] =	vst.idx.msk $0xffff, v39;
	v46 =	vld [tilespmem:s18+$0xFFFFFF50]  }
0x3d: {  	v55 =	vadd.s32 v10, v53;
	v54 =	vld [tilespmem:s18+$0xFFFFFF90];
	[tilespmem:v60+s16+$0x0] =	vst.idx.msk $0xffff, v59  }
0x3e: {  	v56 =	vadd.s32 v14, v34;
	v50 =	vld [tilespmem:s18+$0xFFFFFFD0];
	[tilespmem:v62+s16+$0x0] =	vst.idx.msk $0xffff, v61  }
0x3f: {  	v61 =	vld [tilespmem:s18+$0xFFFFFF10];
	v62 =	vadd.s32 v2, v33;
	[tilespmem:v52+s16+$0x0] =	vst.idx.msk $0xffff, v51  }
0x40: {  	v59 =	vadd.s32 v18, v35;
	[tilespmem:v58+s16+$0x0] =	vst.idx.msk $0xffff, v57;
	v58 =	vld [tilespmem:s18+$0x10]  }
0x41: {  	v57 =	vadd.s32 v31, v38;
	[tilespmem:v63+s16+$0x0] =	vst.idx.msk $0xffff, v46;
	v40 =	vld [tilespmem:s18+$0xE0]  }
0x42: {  	v45 =	vadd.s32 v22, v37;
	v44 =	vld [tilespmem:s18+$0x50];
	[tilespmem:v55+s16+$0x0] =	vst.idx.msk $0xffff, v54  }
0x43: {  	v60 =	vadd.s32 v26, v36;
	v63 =	vld [tilespmem:s18+$0x90];
	[tilespmem:v56+s16+$0x0] =	vst.idx.msk $0xffff, v50  }
0x44: {  	v51 =	vadd.s32 v7, v47;
	[tilespmem:v62+s16+$0x0] =	vst.idx.msk $0xffff, v61;
	v50 =	vld [tilespmem:s18+$0xFFFFFF60]  }
0x45: {  	v56 =	vadd.s32 v11, v53;
	v55 =	vld [tilespmem:s18+$0xFFFFFFA0];
	[tilespmem:v59+s16+$0x0] =	vst.idx.msk $0xffff, v58  }
0x46: {  	v58 =	vadd.s32 v15, v34;
	[tilespmem:v57+s16+$0x0] =	vst.idx.msk $0xffff, v40;
	v57 =	vld [tilespmem:s18+$0xFFFFFFE0]  }
0x47: {  	v38 =	vadd.s32 v32, v38;
	[tilespmem:v45+s16+$0x0] =	vst.idx.msk $0xffff, v44;
	v52 =	vld [tilespmem:s18+$0xF0]  }
0x48: {  	[tilespmem:v60+s16+$0x0] =	vst.idx.msk $0xffff, v63;
	v60 =	vadd.s32 v19, v35;
	v59 =	vld [tilespmem:s18+$0x20]  }
0x49: {  	s28 =	simm.s32 $0xA;
	s29 =	simm.s32 $0xC;
	v41 =	vadd.s32 v23, v37;
	v43 =	vadd.s32 v27, v36;
	[tilespmem:v51+s16+$0x0] =	vst.idx.msk $0xffff, v50;
	v40 =	vld [tilespmem:s18+$0x60]  }
0x4a: {  	s25 =	simm.s32 $0x8;
	s20 =	simm.s32 $0xB;
	s17 =	smul.u32 $0x8800, s23;
	v48 =	vadd.s32 v3, v33;
	v54 =	vmov s28;
	v46 =	vmov s29;
	v42 =	vld [tilespmem:s18+$0xA0];
	[tilespmem:v56+s16+$0x0] =	vst.idx.msk $0xffff, v55  }
0x4b: {  	s26 =	simm.s32 $0x9;
	v53 =	vadd.s32 v12, v53;
	v44 =	vmov s20;
	v45 =	vld [tilespmem:s18+$0xFFFFFF20];
	v63 =	vmov s25;
	[tilespmem:v58+s16+$0x0] =	vst.idx.msk $0xffff, v57  }
0x4c: {  	s30 =	simm.s32 $0xD;
	s31 =	simm.s32 $0xE;
	s17 =	sshrl.u32 s17, $0x2;
	v39 =	vshrl.u32 v63, $0x3;
	v51 =	vmov s26;
	v49 =	vld [tilespmem:s18+$0xFFFFFF70];
	[tilespmem:v38+s16+$0x0] =	vst.idx.msk $0xffff, v52;
	v52 =	vadd.s32 v8, v47  }
0x4d: {  	s19 =	simm.s32 $0x10;
	s17 =	sadd.s32 $0x9900, s17;
	s20 =	simm.s32 $0xF;
	v50 =	vld [tilespmem:s18+$0xFFFFFFB0];
	[tilespmem:v60+s16+$0x0] =	vst.idx.msk $0xffff, v59;
	v38 =	vmov s30;
	v47 =	vshll.u32 v39, v1;
	v39 =	vmov s31  }
.LBB2_3:
0x4e: {  	p1 =	slt.u32 s19, $0x78;
	v51 =	vshrl.u32 v51, $0x3;
	v55 =	vmov s20;
	v56 =	vld [tilespmem:s18+$0xFFFFFFF0];
	v34 =	vadd.s32 v16, v34;
	[tilespmem:v41+s16+$0x0] =	vst.idx.msk $0xffff, v40  }
0x4f: {  	v40 =	vshrl.u32 v54, $0x3;
	v35 =	vadd.s32 v20, v35;
	v41 =	vshrl.u32 v55, $0x3;
	v54 =	vld [tilespmem:s18+$0x30];
	[tilespmem:v43+s16+$0x0] =	vst.idx.msk $0xffff, v42  }
0x50: {  	v37 =	vadd.s32 v24, v37;
	v42 =	vshrl.u32 v44, $0x3;
	v41 =	vshll.u32 v41, v1;
	[tilespmem:v48+s16+$0x0] =	vst.idx.msk $0xffff, v45;
	v43 =	vld [tilespmem:s18+$0x70]  }
0x51: {  	v36 =	vadd.s32 v28, v36;
	v44 =	vshrl.u32 v46, $0x3;
	v41 =	vbroadcast v41, $0x0;
	[tilespmem:v52+s16+$0x0] =	vst.idx.msk $0xffff, v49;
	v45 =	vld [tilespmem:s18+$0xB0]  }
0x52: {  	v46 =	vshll.u32 v51, v1;
	v49 =	vadd.s32 v4, v33;
	v33 =	vbroadcast v47, $0x0;
	v48 =	vld [tilespmem:s18+$0xFFFFFF30];
	[tilespmem:v53+s16+$0x0] =	vst.idx.msk $0xffff, v50;
	s18 =	sadd.s32 $0x200, s18  }
0x53: {  	v40 =	vshll.u32 v40, v1;
	v47 =	vbroadcast v46, $0x0;
	v46 =	vld [tilespmem:s18+$0xC0];
	v50 =	vadd.s32 v29, v41;
	[tilespmem:v34+s16+$0x0] =	vst.idx.msk $0xffff, v56  }
0x54: {  	v53 =	vbroadcast v40, $0x0;
	v52 =	vadd.s32 v0, v33;
	v34 =	vshll.u32 v42, v1;
	v51 =	vld [tilespmem:s18+$0xFFFFFF00];
	[tilespmem:v35+s16+$0x0] =	vst.idx.msk $0xffff, v54  }
0x55: {  	v42 =	vadd.s32 v5, v47;
	v34 =	vbroadcast v34, $0x0;
	v35 =	vshll.u32 v44, v1;
	v40 =	vld [tilespmem:s18+$0xFFFFFF40];
	[tilespmem:v37+s16+$0x0] =	vst.idx.msk $0xffff, v43  }
0x56: {  	v44 =	vadd.s32 v9, v53;
	v35 =	vbroadcast v35, $0x0;
	v37 =	vshrl.u32 v38, $0x3;
	v43 =	vld [tilespmem:s18+$0xFFFFFF80];
	[tilespmem:v36+s16+$0x0] =	vst.idx.msk $0xffff, v45  }
0x57: {  	v39 =	vshrl.u32 v39, $0x3;
	v45 =	vadd.s32 v13, v34;
	v36 =	vshll.u32 v37, v1;
	v38 =	vld [tilespmem:s18+$0xFFFFFFC0];
	[tilespmem:v49+s16+$0x0] =	vst.idx.msk $0xffff, v48  }
0x58: {  	v49 =	vadd.s32 v17, v35;
	v37 =	vbroadcast v36, $0x0;
	v36 =	vshll.u32 v39, v1;
	v48 =	vld [tilespmem:s18+$0x0];
	[tilespmem:v50+s16+$0x0] =	vst.idx.msk $0xffff, v46  }
0x59: {  	v36 =	vbroadcast v36, $0x0;
	v46 =	vadd.s32 v30, v41;
	[tilespmem:v52+s16+$0x0] =	vst.idx.msk $0xffff, v51;
	v39 =	vld [tilespmem:s18+$0xD0]  }
0x5a: {  	[tilespmem:v42+s16+$0x0] =	vst.idx.msk $0xffff, v40;
	v40 =	vld [tilespmem:s18+$0x40];
	v42 =	vadd.s32 v21, v37  }
0x5b: {  	[tilespmem:v44+s16+$0x0] =	vst.idx.msk $0xffff, v43;
	v43 =	vld [tilespmem:s18+$0x80];
	v44 =	vadd.s32 v25, v36  }
0x5c: {  	v51 =	vadd.s32 v6, v47;
	v50 =	vld [tilespmem:s18+$0xFFFFFF50];
	[tilespmem:v45+s16+$0x0] =	vst.idx.msk $0xffff, v38  }
0x5d: {  	v45 =	vadd.s32 v10, v53;
	v38 =	vld [tilespmem:s18+$0xFFFFFF90];
	[tilespmem:v49+s16+$0x0] =	vst.idx.msk $0xffff, v48  }
0x5e: {  	v49 =	vadd.s32 v14, v34;
	v48 =	vld [tilespmem:s18+$0xFFFFFFD0];
	[tilespmem:v46+s16+$0x0] =	vst.idx.msk $0xffff, v39  }
0x5f: {  	[tilespmem:v42+s16+$0x0] =	vst.idx.msk $0xffff, v40;
	v39 =	vld [tilespmem:s18+$0xE0];
	v40 =	vadd.s32 v31, v41  }
0x60: {  	v46 =	vadd.s32 v18, v35;
	v42 =	vld [tilespmem:s18+$0x10];
	[tilespmem:v44+s16+$0x0] =	vst.idx.msk $0xffff, v43  }
0x61: {  	v44 =	vadd.s32 v22, v37;
	[tilespmem:v51+s16+$0x0] =	vst.idx.msk $0xffff, v50;
	v43 =	vld [tilespmem:s18+$0x50]  }
0x62: {  	[tilespmem:v45+s16+$0x0] =	vst.idx.msk $0xffff, v38;
	v38 =	vld [tilespmem:s18+$0x90];
	v45 =	vadd.s32 v26, v36  }
0x63: {  	v51 =	vadd.s32 v2, v33;
	v50 =	vld [tilespmem:s18+$0xFFFFFF10];
	[tilespmem:v49+s16+$0x0] =	vst.idx.msk $0xffff, v48  }
0x64: {  	v49 =	vadd.s32 v7, v47;
	v48 =	vld [tilespmem:s18+$0xFFFFFF60];
	[tilespmem:v40+s16+$0x0] =	vst.idx.msk $0xffff, v39  }
0x65: {  	[tilespmem:v46+s16+$0x0] =	vst.idx.msk $0xffff, v42;
	v39 =	vld [tilespmem:s18+$0xF0];
	v46 =	vadd.s32 v32, v41  }
0x66: {  	v55 =	vadd.s32 v11, v53;
	v52 =	vld [tilespmem:s18+$0xFFFFFFA0];
	[tilespmem:v44+s16+$0x0] =	vst.idx.msk $0xffff, v43  }
0x67: {  	v57 =	vadd.s32 v15, v34;
	v56 =	vld [tilespmem:s18+$0xFFFFFFE0];
	[tilespmem:v45+s16+$0x0] =	vst.idx.msk $0xffff, v38  }
0x68: {  	v59 =	vadd.s32 v19, v35;
	[tilespmem:v51+s16+$0x0] =	vst.idx.msk $0xffff, v50;
	v58 =	vld [tilespmem:s18+$0x20]  }
.Ltmp0:
0x69: {  	s20 =	sadd.s32 $0x1, s19;
	v41 =	vadd.s32 v23, v37;
	v38 =	vmov s19;
	[tilespmem:v49+s16+$0x0] =	vst.idx.msk $0xffff, v48;
	v40 =	vld [tilespmem:s18+$0x60];
	(pc) =	sbr.rel @p1 .LBB2_3-.Ltmp0, $4  }
0x6a: {  	s21 =	sadd.s32 $0x3, s19;
	v43 =	vadd.s32 v27, v36;
	v50 =	vshrl.u32 v38, $0x3;
	v51 =	vmov s20;
	s20 =	sadd.s32 $0x2, s19;
	v42 =	vld [tilespmem:s18+$0xA0];
	[tilespmem:v46+s16+$0x0] =	vst.idx.msk $0xffff, v39  }
0x6b: {  	v44 =	vmov s21;
	s21 =	sadd.s32 $0x5, s19;
	v54 =	vmov s20;
	s20 =	sadd.s32 $0x4, s19;
	v48 =	vadd.s32 v3, v33;
	v45 =	vld [tilespmem:s18+$0xFFFFFF20];
	[tilespmem:v55+s16+$0x0] =	vst.idx.msk $0xffff, v52  }
0x6c: {  	v38 =	vmov s21;
	v46 =	vmov s20;
	s20 =	sadd.s32 $0x6, s19;
	v52 =	vadd.s32 v8, v47;
	v49 =	vld [tilespmem:s18+$0xFFFFFF70];
	[tilespmem:v57+s16+$0x0] =	vst.idx.msk $0xffff, v56  }
0x6d: {  	v53 =	vadd.s32 v12, v53;
	v47 =	vshll.u32 v50, v1;
	v39 =	vmov s20;
	s20 =	sadd.s32 $0x7, s19;
	s19 =	sadd.s32 $0x8, s19;
	v50 =	vld [tilespmem:s18+$0xFFFFFFB0];
	[tilespmem:v59+s16+$0x0] =	vst.idx.msk $0xffff, v58  }
0x6e: {  	_ =	sdelay $0x2  }
0x6f: {  	v51 =	vshrl.u32 v51, $0x3  }
0x70: {  	v55 =	vmov s20;
	v56 =	vld [tilespmem:s18+$0xFFFFFFF0];
	v34 =	vadd.s32 v16, v34;
	[tilespmem:v41+s16+$0x0] =	vst.idx.msk $0xffff, v40;
	v57 =	vshrl.u32 v54, $0x3  }
0x71: {  	v59 =	vld [tilespmem:s18+$0x30];
	v35 =	vadd.s32 v20, v35;
	v60 =	vshrl.u32 v44, $0x3;
	v58 =	vshrl.u32 v55, $0x3;
	[tilespmem:v43+s16+$0x0] =	vst.idx.msk $0xffff, v42  }
0x72: {  	v37 =	vadd.s32 v24, v37;
	v62 =	vshrl.u32 v46, $0x3;
	v61 =	vld [tilespmem:s18+$0x70];
	v41 =	vshll.u32 v58, v1;
	[tilespmem:v48+s16+$0x0] =	vst.idx.msk $0xffff, v45  }
0x73: {  	v36 =	vadd.s32 v28, v36;
	v46 =	vbroadcast v47, $0x0;
	v63 =	vld [tilespmem:s18+$0xB0];
	v41 =	vbroadcast v41, $0x0;
	[tilespmem:v52+s16+$0x0] =	vst.idx.msk $0xffff, v49  }
0x74: {  	v33 =	vadd.s32 v4, v33;
	s29 =	sadd.s32 $0x200, s18;
	v38 =	vshrl.u32 v38, $0x3;
	v55 =	vshll.u32 v51, v1;
	v48 =	vld [tilespmem:s18+$0xFFFFFF30];
	[tilespmem:v53+s16+$0x0] =	vst.idx.msk $0xffff, v50  }
0x75: {  	v40 =	vshll.u32 v57, v1;
	v47 =	vbroadcast v55, $0x0;
	v49 =	vld [tilespmem:s29+$0xC0];
	v50 =	vadd.s32 v29, v41;
	[tilespmem:v34+s16+$0x0] =	vst.idx.msk $0xffff, v56  }
0x76: {  	v42 =	vshll.u32 v60, v1;
	v40 =	vbroadcast v40, $0x0;
	v34 =	vld [tilespmem:s29+$0xFFFFFF00];
	v56 =	vadd.s32 v0, v46;
	[tilespmem:v35+s16+$0x0] =	vst.idx.msk $0xffff, v59  }
0x77: {  	v57 =	vld [tilespmem:s29+$0xFFFFFF40];
	v44 =	vshll.u32 v62, v1;
	v42 =	vbroadcast v42, $0x0;
	v58 =	vadd.s32 v5, v47;
	[tilespmem:v37+s16+$0x0] =	vst.idx.msk $0xffff, v61  }
0x78: {  	v38 =	vshll.u32 v38, v1;
	v44 =	vbroadcast v44, $0x0;
	v60 =	vadd.s32 v9, v40;
	v59 =	vld [tilespmem:s29+$0xFFFFFF80];
	[tilespmem:v36+s16+$0x0] =	vst.idx.msk $0xffff, v63  }
0x79: {  	v38 =	vbroadcast v38, $0x0;
	v62 =	vadd.s32 v13, v42;
	v61 =	vld [tilespmem:s29+$0xFFFFFFC0];
	[tilespmem:v33+s16+$0x0] =	vst.idx.msk $0xffff, v48  }
0x7a: {  	v39 =	vshrl.u32 v39, $0x3;
	v63 =	vadd.s32 v17, v44;
	v33 =	vld [tilespmem:s29+$0x0];
	[tilespmem:v50+s16+$0x0] =	vst.idx.msk $0xffff, v49  }
0x7b: {  	v39 =	vshll.u32 v39, v1;
	v35 =	vld [tilespmem:s29+$0x40];
	[tilespmem:v56+s16+$0x0] =	vst.idx.msk $0xffff, v34;
	v56 =	vadd.s32 v21, v38  }
0x7c: {  	[tilespmem:v58+s16+$0x0] =	vst.idx.msk $0xffff, v57;
	v34 =	vbroadcast v39, $0x0;
	v49 =	vadd.s32 v30, v41;
	v39 =	vld [tilespmem:s29+$0xD0]  }
0x7d: {  	[tilespmem:v60+s16+$0x0] =	vst.idx.msk $0xffff, v59;
	v59 =	vld [tilespmem:s29+$0xFFFFFF50];
	v60 =	vadd.s32 v6, v47  }
0x7e: {  	v57 =	vld [tilespmem:s29+$0x80];
	[tilespmem:v62+s16+$0x0] =	vst.idx.msk $0xffff, v61;
	v58 =	vadd.s32 v25, v34  }
0x7f: {  	v61 =	vld [tilespmem:s29+$0xFFFFFF90];
	v62 =	vadd.s32 v10, v40;
	[tilespmem:v63+s16+$0x0] =	vst.idx.msk $0xffff, v33  }
0x80: {  	v33 =	vld [tilespmem:s29+$0xFFFFFFD0];
	v63 =	vadd.s32 v14, v42;
	[tilespmem:v56+s16+$0x0] =	vst.idx.msk $0xffff, v35  }
0x81: {  	v56 =	vadd.s32 v18, v44;
	[tilespmem:v49+s16+$0x0] =	vst.idx.msk $0xffff, v39;
	v49 =	vld [tilespmem:s29+$0x10]  }
0x82: {  	[tilespmem:v60+s16+$0x0] =	vst.idx.msk $0xffff, v59;
	v39 =	vadd.s32 v31, v41;
	v35 =	vld [tilespmem:s29+$0xE0]  }
0x83: {  	[tilespmem:v58+s16+$0x0] =	vst.idx.msk $0xffff, v57;
	v57 =	vld [tilespmem:s29+$0x50];
	v58 =	vadd.s32 v22, v38  }
0x84: {  	[tilespmem:v62+s16+$0x0] =	vst.idx.msk $0xffff, v61;
	v61 =	vld [tilespmem:s29+$0xFFFFFF10];
	v62 =	vadd.s32 v2, v46  }
0x85: {  	v60 =	vadd.s32 v26, v34;
	v59 =	vld [tilespmem:s29+$0x90];
	[tilespmem:v63+s16+$0x0] =	vst.idx.msk $0xffff, v33  }
0x86: {  	v55 =	vadd.s32 v11, v40;
	v54 =	vadd.s32 v32, v41;
	v41 =	vld [tilespmem:s29+$0xFFFFFFA0];
	[tilespmem:v56+s16+$0x0] =	vst.idx.msk $0xffff, v49  }
0x87: {  	v53 =	vadd.s32 v7, v47;
	v63 =	vld [tilespmem:s29+$0xFFFFFF60];
	[tilespmem:v39+s16+$0x0] =	vst.idx.msk $0xffff, v35  }
0x88: {  	v56 =	vld [tilespmem:s29+$0xFFFFFFE0];
	[tilespmem:v58+s16+$0x0] =	vst.idx.msk $0xffff, v57;
	v57 =	vadd.s32 v15, v42  }
0x89: {  	[tilespmem:v62+s16+$0x0] =	vst.idx.msk $0xffff, v61;
	v35 =	vld [tilespmem:s29+$0xF0]  }
0x8a: {  	v58 =	vld [tilespmem:s29+$0x20];
	[tilespmem:v60+s16+$0x0] =	vst.idx.msk $0xffff, v59;
	v59 =	vadd.s32 v19, v44  }
0x8b: {  	v61 =	vadd.s32 v23, v38;
	[tilespmem:v55+s16+$0x0] =	vst.idx.msk $0xffff, v41;
	v60 =	vld [tilespmem:s29+$0x60]  }
0x8c: {  	[tilespmem:v53+s16+$0x0] =	vst.idx.msk $0xffff, v63;
	v63 =	vadd.s32 v27, v34;
	v62 =	vld [tilespmem:s29+$0xA0]  }
0x8d: {  	v47 =	vadd.s32 v8, v47;
	v55 =	vld [tilespmem:s29+$0xFFFFFF70];
	[tilespmem:v57+s16+$0x0] =	vst.idx.msk $0xffff, v56  }
0x8e: {  	v53 =	vld [tilespmem:s29+$0xFFFFFF20];
	[tilespmem:v54+s16+$0x0] =	vst.idx.msk $0xffff, v35;
	v54 =	vadd.s32 v3, v46  }
0x8f: {  	v40 =	vadd.s32 v12, v40;
	v56 =	vld [tilespmem:s29+$0xFFFFFFB0];
	[tilespmem:v59+s16+$0x0] =	vst.idx.msk $0xffff, v58  }
0x90: {  	v42 =	vadd.s32 v16, v42;
	v57 =	vld [tilespmem:s29+$0xFFFFFFF0];
	[tilespmem:v61+s16+$0x0] =	vst.idx.msk $0xffff, v60  }
0x91: {  	v59 =	vadd.s32 v20, v44;
	v58 =	vld [tilespmem:s29+$0x30];
	[tilespmem:v63+s16+$0x0] =	vst.idx.msk $0xffff, v62  }
0x92: {  	v38 =	vadd.s32 v24, v38;
	v60 =	vld [tilespmem:s29+$0x70];
	[tilespmem:v47+s16+$0x0] =	vst.idx.msk $0xffff, v55  }
0x93: {  	v34 =	vadd.s32 v28, v34;
	v61 =	vld [tilespmem:s29+$0xB0];
	[tilespmem:v54+s16+$0x0] =	vst.idx.msk $0xffff, v53  }
0x94: {  	v63 =	vadd.s32 v4, v46;
	[tilespmem:v40+s16+$0x0] =	vst.idx.msk $0xffff, v56;
	v62 =	vld [tilespmem:s29+$0xFFFFFF30]  }
0x95: {  	[tilespmem:v42+s16+$0x0] =	vst.idx.msk $0xffff, v57  }
0x96: {  	[tilespmem:v59+s16+$0x0] =	vst.idx.msk $0xffff, v58  }
0x97: {  	[tilespmem:v38+s16+$0x0] =	vst.idx.msk $0xffff, v60  }
0x98: {  	s30 =	sshll.u32 s14, $0xF;
	[tilespmem:v34+s16+$0x0] =	vst.idx.msk $0xffff, v61  }
0x99: {  	s20 =	sadd.s32 $0x0, s17;
	[tilespmem:v63+s16+$0x0] =	vst.idx.msk $0xffff, v62;
	s16 =	sadd.s32 s30, s5  }
0x9a: {  	[hbm4b:s16+s2] =	stream.linear.scatter [tilespmem:s20], [sflag:s15], $0x80, $0x38;
	[tilespmem:$0x16F28] =	vst v63  }
0x9b: {  	s31 =	sadd.s32 $0x88, s20;
	s19 =	sadd.s32 $0x10, s16  }
0x9c: {  	[hbm4b:s19+s2] =	stream.linear.scatter [tilespmem:s31], [sflag:s15], $0x80, $0x38;
	[tilespmem:$0x16F28] =	vst v63  }
0x9d: {  	s21 =	sadd.s32 $0x110, s20;
	s23 =	sadd.s32 $0x198, s20;
	s22 =	sadd.s32 $0x20, s16  }
0x9e: {  	[hbm4b:s22+s2] =	stream.linear.scatter [tilespmem:s21], [sflag:s15], $0x80, $0x38;
	[tilespmem:$0x16F28] =	vst v63  }
0x9f: {  	s25 =	sadd.s32 $0x220, s20;
	s28 =	sadd.s32 $0x2A8, s20;
	s24 =	sadd.s32 $0x30, s16  }
0xa0: {  	[hbm4b:s24+s2] =	stream.linear.scatter [tilespmem:s23], [sflag:s15], $0x80, $0x38;
	[tilespmem:$0x16F28] =	vst v63  }
0xa1: {  	s18 =	simm.s32 $0x440;
	s30 =	sadd.s32 $0x330, s20;
	s26 =	sadd.s32 $0x40, s16  }
0xa2: {  	[hbm4b:s26+s2] =	stream.linear.scatter [tilespmem:s25], [sflag:s15], $0x80, $0x38;
	[tilespmem:$0x16F28] =	vst v63  }
0xa3: {  	s29 =	sadd.s32 $0x50, s16;
	s20 =	sadd.s32 $0x3B8, s20;
	s31 =	sadd.s32 $0x60, s16  }
0xa4: {  	[hbm4b:s29+s2] =	stream.linear.scatter [tilespmem:s28], [sflag:s15], $0x80, $0x38;
	[tilespmem:$0x16F28] =	vst v63  }
0xa5: {  	s19 =	simm.s32 $0x2200;
	s21 =	sadd.s32 $0x70, s16;
	s16 =	sadd.s32 $0x1000, s16  }
0xa6: {  	[hbm4b:s31+s2] =	stream.linear.scatter [tilespmem:s30], [sflag:s15], $0x80, $0x38;
	[tilespmem:$0x16F28] =	vst v63  }
.LBB2_5:
0xa7: {  	[hbm4b:s21+s2] =	stream.linear.scatter [tilespmem:s20], [sflag:s15], $0x80, $0x38;
	[tilespmem:$0x16F28] =	vst v63  }
0xa8: {  	s20 =	smov.u32 s19  }
0xa9: {  	s22 =	sadd.s32 $0x1100, s19;
	s21 =	sadd.s32 s18, s17;
	s18 =	sshra.s32 s20, $0x2  }
0xaa: {  	[hbm4b:s16+s2] =	stream.linear.scatter [tilespmem:s21], [sflag:s15], $0x80, $0x38;
	[tilespmem:$0x16F28] =	vst v63  }
0xab: {  	p1 =	sne.s32 s19, $0x7700;
	s19 =	sadd.s32 $0x88, s21;
	s20 =	sadd.s32 $0x10, s16  }
0xac: {  	[hbm4b:s20+s2] =	stream.linear.scatter [tilespmem:s19], [sflag:s15], $0x80, $0x38;
	[tilespmem:$0x16F28] =	vst v63  }
0xad: {  	s19 =	sadd.s32 $0x110, s21;
	s20 =	sadd.s32 $0x20, s16  }
0xae: {  	[hbm4b:s20+s2] =	stream.linear.scatter [tilespmem:s19], [sflag:s15], $0x80, $0x38;
	[tilespmem:$0x16F28] =	vst v63  }
0xaf: {  	s19 =	sadd.s32 $0x198, s21;
	s20 =	sadd.s32 $0x30, s16  }
0xb0: {  	[hbm4b:s20+s2] =	stream.linear.scatter [tilespmem:s19], [sflag:s15], $0x80, $0x38;
	[tilespmem:$0x16F28] =	vst v63  }
0xb1: {  	s19 =	sadd.s32 $0x220, s21;
	s20 =	sadd.s32 $0x40, s16  }
0xb2: {  	[hbm4b:s20+s2] =	stream.linear.scatter [tilespmem:s19], [sflag:s15], $0x80, $0x38;
	[tilespmem:$0x16F28] =	vst v63  }
0xb3: {  	s19 =	sadd.s32 $0x2A8, s21;
	s20 =	sadd.s32 $0x50, s16  }
0xb4: {  	[hbm4b:s20+s2] =	stream.linear.scatter [tilespmem:s19], [sflag:s15], $0x80, $0x38;
	[tilespmem:$0x16F28] =	vst v63  }
.Ltmp1:
0xb5: {  	_ = 	snop;
	(pc) =	sbr.rel @p1 .LBB2_5-.Ltmp1, $4  }
0xb6: {  	s19 =	sadd.s32 $0x330, s21;
	s20 =	sadd.s32 $0x60, s16  }
0xb7: {  	[hbm4b:s20+s2] =	stream.linear.scatter [tilespmem:s19], [sflag:s15], $0x80, $0x38;
	[tilespmem:$0x16F28] =	vst v63  }
0xb8: {  	s20 =	sadd.s32 $0x3B8, s21  }
0xb9: {  	s21 =	sadd.s32 $0x70, s16;
	s16 =	sadd.s32 $0x1000, s16;
	s19 =	smov.u32 s22  }
0xba: {  	[hbm4b:s21+s2] =	stream.linear.scatter [tilespmem:s20], [sflag:s15], $0x80, $0x38;
	[tilespmem:$0x16F28] =	vst v63  }
0xbb: {  	s17 =	sadd.s32 s18, s17  }
0xbc: {  	[hbm4b:s16+s2] =	stream.linear.scatter [tilespmem:s17], [sflag:s15], $0x80, $0x38;
	[tilespmem:$0x16F28] =	vst v63  }
0xbd: {  	s19 =	sadd.s32 $0x10, s16;
	s18 =	sadd.s32 $0x88, s17  }
0xbe: {  	[hbm4b:s19+s2] =	stream.linear.scatter [tilespmem:s18], [sflag:s15], $0x80, $0x38;
	[tilespmem:$0x16F28] =	vst v63  }
0xbf: {  	s21 =	sadd.s32 $0x20, s16;
	s20 =	sadd.s32 $0x110, s17  }
0xc0: {  	[hbm4b:s21+s2] =	stream.linear.scatter [tilespmem:s20], [sflag:s15], $0x80, $0x38;
	[tilespmem:$0x16F28] =	vst v63  }
0xc1: {  	s23 =	sadd.s32 $0x30, s16;
	s22 =	sadd.s32 $0x198, s17  }
0xc2: {  	[hbm4b:s23+s2] =	stream.linear.scatter [tilespmem:s22], [sflag:s15], $0x80, $0x38;
	[tilespmem:$0x16F28] =	vst v63  }
0xc3: {  	s25 =	sadd.s32 $0x40, s16;
	s14 =	sadd.s32 $0x1, s14;
	s24 =	sadd.s32 $0x220, s17  }
0xc4: {  	[hbm4b:s25+s2] =	stream.linear.scatter [tilespmem:s24], [sflag:s15], $0x80, $0x38;
	[tilespmem:$0x16F28] =	vst v63  }
0xc5: {  	s28 =	sadd.s32 $0x50, s16;
	s26 =	sadd.s32 $0x2A8, s17;
	p1 =	sne.s32 s14, $0x32  }
0xc6: {  	[hbm4b:s28+s2] =	stream.linear.scatter [tilespmem:s26], [sflag:s15], $0x80, $0x38;
	[tilespmem:$0x16F28] =	vst v63  }
.Ltmp2:
0xc7: {  	_ = 	snop;
	(pc) =	sbr.rel @p1 .LBB2_2-.Ltmp2, $4  }
0xc8: {  	s30 =	sadd.s32 $0x60, s16;
	s29 =	sadd.s32 $0x330, s17  }
0xc9: {  	[hbm4b:s30+s2] =	stream.linear.scatter [tilespmem:s29], [sflag:s15], $0x80, $0x38;
	[tilespmem:$0x16F28] =	vst v63  }
0xca: {  	s31 =	sadd.s32 $0x70, s16;
	s13 =	sadd.s32 $0x1, s13;
	s17 =	sadd.s32 $0x3B8, s17  }
0xcb: {  	[hbm4b:s31+s2] =	stream.linear.scatter [tilespmem:s17], [sflag:s15], $0x80, $0x38;
	[tilespmem:$0x16F28] =	vst v63  }
0xcc: {  	_ =	swait.ge [sflag:s8], $0x2000  }
0xcd: {  	[sflag:s8] =	ssyncset.done $0x0  }
0xce: {  	[sflag:s8] =	ssyncadd.s32 $0xFFFFE000  }
0xcf: {  	_ =	swait.ge [sflag:s9], $0x2000  }
0xd0: {  	[sflag:s9] =	ssyncset.done $0x0  }
0xd1: {  	s12 =	sadd.s32 $0x1, s12;
	[sflag:s9] =	ssyncadd.s32 $0xFFFFE000  }
0xd2: {  	p1 =	sne.s32 s12, s6;
	_ =	swait.ge [sflag:s10], $0x2000  }
.Ltmp3:
0xd3: {  	[sflag:s10] =	ssyncset.done $0x0;
	(pc) =	sbr.rel @p1 .LBB2_1-.Ltmp3, $4  }
0xd4: {  	[sflag:s10] =	ssyncadd.s32 $0xFFFFE000  }
0xd5: {  	_ =	swait.ge [sflag:s11], $0x2000  }
0xd6: {  	[sflag:s11] =	ssyncset.done $0x0  }
0xd7: {  	[sflag:s11] =	ssyncadd.s32 $0xFFFFE000  }
0xd8: {  	_ =	sfence.sel $0x180000  }
0xd9: {  	[bflag:$0x0] =	sbarrier.arrive $0xFFFF  }
0xda: {  	_ =	strace $0x90000047  }
0xdb: {  	s0 =	sadd.s32 @!p0 $0x100000, s1;
	[bflag:$0x2] =	sbarrier.arrive $0xFFFF  }
0xdc: {  	[sflag:s0] =	ssyncadd.tile.s32 @!p0 $0x1;
	_ =	shalt  }
.Lfunc_end2:
_tile_overlayer_lowered:
.L_overlay_start_2:
0xdd: {  	(tag) =	ssettag $0x2  }
0xde: {  	s0 =	rddreg [dreg:$0x0];
	s2 =	stileid.u32  }
0xdf: {  	s1 =	rddreg [dreg:$0x1];
	p0 =	sne.s32 s2, $0x0  }
0xe0: {  	s3 =	rddreg [dreg:$0x2];
	[bflag:$0x3] =	sbarrier.arrive $0xFFFF;
	s2 =	simm.s32 @!p0 $0x1C0A  }
0xe1: {  	[timem:s3], [sflag:s2] =	dma.local @!p0 [hbm:s0], s1  }
0xe2: {  	s0 =	simm.s32 @!p0 $0xA  }
0xe3: {  	_ =	swait.ge @!p0 [sflag:s0], s1  }
0xe4: {  	s1 =	ssub.s32 @!p0 $0x0, s1;
	[sflag:s0] =	ssyncset.done @!p0 $0x0  }
0xe5: {  	[sflag:s0] =	ssyncadd.s32 @!p0 s1  }
0xe6: {  	[bflag:$0x3] =	sbarrier.arrive $0xFFFF  }
0xe7: {  	_ =	shalt  }

</sc_bundles>
